<compile_context>
chip_gen: v7x
topology: tpu7x:2x2x1
jax: 0.10.2.dev20260603
libtpu: 0.0.44.dev20260713+nightly
codegen_flags: <defaults>
</compile_context>

<pallas_src>
import functools

import jax
import jax.numpy as jnp
from jax import lax
from jax.experimental import pallas as pl
from jax.experimental.pallas import tpu as pltpu
from jax.experimental.pallas import tpu_sc as plsc

_N = 16384
_D = 64
_MARGIN = 0.1
_NE = 9
_NR = 8
_CHUNK = 128
_EGRP = 3
_RGRP = 8
_NB = 8
_BLK = _N // _NB


_RTAB = 1 << 19


def _sc_gather(go_embed, go_rad, eidx, ridx):
    info = plsc.get_sparse_core_info()
    nc, ns = info.num_cores, info.num_subcores
    nw = nc * ns
    e_rows = _NE * _N
    r_rows = _NR * _N
    e_per_w = e_rows // nw
    r_per_w = r_rows // nw
    egroups = e_per_w // (_EGRP * _CHUNK)
    rgroups = r_per_w // (_RGRP * _CHUNK)
    eg_rows = _EGRP * _CHUNK
    rg_rows = _RGRP * _CHUNK

    mesh = plsc.VectorSubcoreMesh(core_axis_name="c", subcore_axis_name="s")

    @functools.partial(
        pl.kernel,
        mesh=mesh,
        compiler_params=pltpu.CompilerParams(use_tc_tiling_on_sc=False),
        out_type=[
            jax.ShapeDtypeStruct((e_rows, _D), jnp.float32),
            jax.ShapeDtypeStruct((r_rows,), jnp.float32),
        ],
        scratch_types=[
            pltpu.VMEM((e_per_w,), jnp.int32),
            pltpu.VMEM((r_per_w,), jnp.int32),
            pltpu.VMEM((eg_rows, _D), jnp.float32),
            pltpu.VMEM((eg_rows, _D), jnp.float32),
            pltpu.VMEM((rg_rows,), jnp.float32),
            pltpu.VMEM((rg_rows,), jnp.float32),
            pltpu.VMEM((_RTAB // ns,), jnp.float32),
            pltpu.VMEM_SHARED((_RTAB,), jnp.float32),
            pltpu.SemaphoreType.DMA,
            pltpu.SemaphoreType.DMA,
        ],
    )
    def k(embed_hbm, rad_hbm, eidx_hbm, ridx_hbm, out_e, out_r,
          eidx_v, ridx_v, ebufa, ebufb, rbufa, rbufb, stage_v, rad_sp,
          sema, semb):
        wid = lax.axis_index("s") * nc + lax.axis_index("c")
        sid = lax.axis_index("s")
        ebase = wid * e_per_w
        rbase = wid * r_per_w
        stg = _RTAB // ns
        soff = sid * stg
        pltpu.sync_copy(rad_hbm.at[pl.ds(soff, stg)], stage_v)
        pltpu.sync_copy(stage_v, rad_sp.at[pl.ds(soff, stg)])
        pltpu.sync_copy(eidx_hbm.at[wid], eidx_v)
        pltpu.sync_copy(ridx_hbm.at[wid], ridx_v)
        plsc.subcore_barrier()

        def e_start(g, buf, sem):
            for k in range(_CHUNK // 16):
                iv = eidx_v[pl.ds(g * _CHUNK + k * 16, 16)]
                pltpu.make_async_copy(
                    embed_hbm.at[iv],
                    buf.at[pl.ds(k * 16, 16)], sem).start()

        def e_finish(g, buf, sem):
            for k in range(_CHUNK // 16):
                pltpu.make_async_copy(
                    out_e.at[pl.ds(ebase, 16)],
                    buf.at[pl.ds(k * 16, 16)], sem).wait()
            pltpu.sync_copy(buf, out_e.at[pl.ds(ebase + g * eg_rows, eg_rows)])

        e_start(0, ebufa, sema)

        def ebody(i, carry):
            ga = 2 * i
            gb = 2 * i + 1
            e_start(gb, ebufb, semb)
            e_finish(ga, ebufa, sema)

            @pl.when(gb + 1 < egroups)
            def _():
                e_start(gb + 1, ebufa, sema)

            e_finish(gb, ebufb, semb)
            return carry

        lax.fori_loop(0, egroups // 2, ebody, 0)

        def r_start(g, buf, sem):
            for k in range(_CHUNK // 16):
                iv = ridx_v[pl.ds(g * _CHUNK + k * 16, 16)]
                pltpu.make_async_copy(
                    rad_sp.at[iv],
                    buf.at[pl.ds(k * 16, 16)], sem).start()

        def r_finish(g, buf, sem):
            for k in range(_CHUNK // 16):
                pltpu.make_async_copy(
                    out_r.at[pl.ds(rbase, 16)],
                    buf.at[pl.ds(k * 16, 16)], sem).wait()
            pltpu.sync_copy(buf, out_r.at[pl.ds(rbase + g * rg_rows, rg_rows)])

        r_start(0, rbufa, sema)

        def rbody(i, carry):
            ga = 2 * i
            gb = 2 * i + 1
            r_start(gb, rbufb, semb)
            r_finish(ga, rbufa, sema)

            @pl.when(gb + 1 < rgroups)
            def _():
                r_start(gb + 1, rbufa, sema)

            r_finish(gb, rbufb, semb)
            return carry

        lax.fori_loop(0, rgroups // 2, rbody, 0)

    return k(go_embed, go_rad, eidx, ridx)


def _tc_body(g_ref, r_ref, rp_ref, rel_ref, i2_ref, i3_ref, gam_ref, bet_ref,
             out_ref, sum_ref, sq_ref, a_ref, b_ref, acc_ref):
    p = pl.program_id(0)
    b = pl.program_id(1)

    @pl.when(jnp.logical_and(p == 0, b == 0))
    def _():
        sum_ref[...] = jnp.zeros_like(sum_ref)
        sq_ref[...] = jnp.zeros_like(sq_ref)

    @pl.when(p == 0)
    def _():
        for j in range(_NE):
            g = g_ref[j]
            sum_ref[j:j + 1, :] = sum_ref[j:j + 1, :] + jnp.sum(
                g, axis=0, keepdims=True)
            sq_ref[j:j + 1, :] = sq_ref[j:j + 1, :] + jnp.sum(
                g * g, axis=0, keepdims=True)

    @pl.when(jnp.logical_and(p == 1, b == 0))
    def _():
        inv_n = jnp.float32(1.0 / _N)
        mu = sum_ref[...] * inv_n
        var = sq_ref[...] * inv_n - mu * mu
        inv = lax.rsqrt(var + 1e-5)
        gam = gam_ref[...]
        bet = bet_ref[...]
        a_ref[...] = inv * gam
        b_ref[...] = bet - mu * inv * gam
        acc_ref[0, 0] = 0.0

    @pl.when(p == 1)
    def _():
        xs = [g_ref[j] * a_ref[j:j + 1, :] + b_ref[j:j + 1, :]
              for j in range(_NE)]
        wi = lax.bitcast_convert_type(r_ref[...], jnp.uint32)
        sel = jnp.where(rp_ref[...] == 1,
                        jnp.bitwise_and(wi, jnp.uint32(0xFFFF0000)),
                        lax.shift_left(wi, jnp.uint32(16)))
        r = jnp.abs(lax.bitcast_convert_type(sel, jnp.float32))

        def dist(u):
            return jnp.sqrt(jnp.sum(u * u, axis=1))

        def relu(t):
            return jnp.maximum(t, 0.0)

        m = jnp.float32(_MARGIN)
        g0 = relu(dist(xs[0] - xs[1]) + r[0] - r[1] - m)
        g1 = (relu(dist(xs[2] - xs[3]) - r[2] - r[3] - m)
              + relu(dist(xs[4] - xs[2]) - r[2] - m)
              + relu(dist(xs[4] - xs[3]) - r[3] - m))
        lanes16 = lax.broadcasted_iota(jnp.int32, (1, 16), 1)
        oh2 = (i2_ref[...] == lanes16).astype(jnp.float32)
        re2 = jnp.dot(oh2, rel_ref[...], preferred_element_type=jnp.float32)
        dst = dist(xs[5] + re2 - xs[6])
        g2 = relu(dst + r[4] - r[5] - m)
        g2n = relu(r[4] + r[5] - dst + m)
        oh3 = (i3_ref[...] == lanes16).astype(jnp.float32)
        re3 = jnp.dot(oh3, rel_ref[...], preferred_element_type=jnp.float32)
        g3 = relu(dist(xs[7] - re3 - xs[8]) - r[6] - r[7] - m)
        acc_ref[0, 0] += jnp.sum(g0 + g1 + g2 + g2n + g3)

    @pl.when(jnp.logical_and(p == 1, b == _NB - 1))
    def _():
        out_ref[...] = jnp.full((1, 1), acc_ref[0, 0] * (1.0 / _N),
                                jnp.float32)


def _tc_loss(g3, r2, rpar, rel, i2, i3, gamma, beta, interpret=False):
    return pl.pallas_call(
        _tc_body,
        grid=(2, _NB),
        in_specs=[
            pl.BlockSpec((_NE, _BLK, _D), lambda p, b: (0, b, 0)),
            pl.BlockSpec((_NR, _BLK), lambda p, b: (0, b)),
            pl.BlockSpec((_NR, _BLK), lambda p, b: (0, b)),
            pl.BlockSpec((16, _D), lambda p, b: (0, 0)),
            pl.BlockSpec((_BLK, 1), lambda p, b: (b, 0)),
            pl.BlockSpec((_BLK, 1), lambda p, b: (b, 0)),
            pl.BlockSpec((1, _D), lambda p, b: (0, 0)),
            pl.BlockSpec((1, _D), lambda p, b: (0, 0)),
        ],
        out_specs=pl.BlockSpec((1, 1), lambda p, b: (0, 0)),
        out_shape=jax.ShapeDtypeStruct((1, 1), jnp.float32),
        scratch_shapes=[
            pltpu.VMEM((_NE, _D), jnp.float32),
            pltpu.VMEM((_NE, _D), jnp.float32),
            pltpu.VMEM((_NE, _D), jnp.float32),
            pltpu.VMEM((_NE, _D), jnp.float32),
            pltpu.SMEM((1, 1), jnp.float32),
        ],
        interpret=interpret,
    )(g3, r2, rpar, rel, i2, i3, gamma, beta)


def kernel(nf0, nf1, nf2, nf3, go_embed, go_rad, rel_embed, bn_gamma, bn_beta):
    eidx = jnp.concatenate([
        nf0[:, 0], nf0[:, 1],
        nf1[:, 0], nf1[:, 1], nf1[:, 2],
        nf2[:, 0], nf2[:, 2],
        nf3[:, 1], nf3[:, 2],
    ])
    ridx = jnp.concatenate([
        nf0[:, 0], nf0[:, 1],
        nf1[:, 0], nf1[:, 1],
        nf2[:, 1], nf2[:, 2],
        nf3[:, 1], nf3[:, 2],
    ])
    info = plsc.get_sparse_core_info()
    nw = info.num_cores * info.num_subcores
    radbf = jnp.pad(go_rad.reshape(-1).astype(jnp.bfloat16),
                    (0, 2 * _RTAB - go_rad.shape[0]))
    radw = lax.bitcast_convert_type(radbf.reshape(_RTAB, 2), jnp.float32)
    ge, gr = _sc_gather(go_embed, radw,
                        eidx.reshape(nw, -1),
                        lax.shift_right_logical(ridx, 1).reshape(nw, -1))
    rpar = jnp.bitwise_and(ridx, 1).reshape(_NR, _N)
    out = _tc_loss(ge.reshape(_NE, _N, _D),
                   gr.reshape(_NR, _N),
                   rpar,
                   rel_embed,
                   nf2[:, 1].reshape(_N, 1),
                   nf3[:, 0].reshape(_N, 1),
                   bn_gamma.reshape(1, _D),
                   bn_beta.reshape(1, _D))
    return out[0, 0]

# --- scband reference (transcript-rebuilt; emitter-appended) ---
"""Pipeline reference for scband-elmodel-40286793236941 (READ-ONLY COPY).

The authoritative reference and input builder live on the scoring server;
editing this copy changes nothing except your own understanding.
"""

import jax, jax.numpy as jnp
import numpy as np

NB_GOS = 1000000
NB_RELS = 16
EMBED_DIM = 64
MARGIN = 0.1
N = 16384


def setup_inputs(seed: int = 0) -> dict:
    key = jax.random.key(seed)
    ks = jax.random.split(key, 8)
    nf0 = jax.random.randint(ks[0], (N, 2), 0, NB_GOS, dtype=jnp.int32)
    nf1 = jax.random.randint(ks[1], (N, 3), 0, NB_GOS, dtype=jnp.int32)
    # columns of nf2/nf3 index both rel_embed and go_rad in the original code,
    # so all entries must be < nb_rels to stay in-range for rel_embed
    nf2 = jax.random.randint(ks[2], (N, 3), 0, NB_RELS, dtype=jnp.int32)
    nf3 = jax.random.randint(ks[3], (N, 3), 0, NB_RELS, dtype=jnp.int32)
    go_embed = jax.random.uniform(ks[4], (NB_GOS, EMBED_DIM), dtype=jnp.float32, minval=0.0, maxval=1.0)
    go_rad = jax.random.uniform(ks[5], (NB_GOS, 1), dtype=jnp.float32, minval=0.0, maxval=1.0)
    k = float(np.sqrt(1.0 / EMBED_DIM))
    rel_embed = jax.random.uniform(ks[6], (NB_RELS, EMBED_DIM), dtype=jnp.float32, minval=-k, maxval=k)
    bn_gamma = jnp.ones((EMBED_DIM,), dtype=jnp.float32)
    bn_beta = jnp.zeros((EMBED_DIM,), dtype=jnp.float32)
    return {"nf0": nf0, "nf1": nf1, "nf2": nf2, "nf3": nf3,
            "go_embed": go_embed, "go_rad": go_rad, "rel_embed": rel_embed,
            "bn_gamma": bn_gamma, "bn_beta": bn_beta}


def reference(nf0, nf1, nf2, nf3, go_embed, go_rad, rel_embed, bn_gamma, bn_beta):
    # BatchNorm1d in training mode: per-call batch statistics (biased var), eps=1e-5
    def bn(x):
        mu = jnp.mean(x, axis=0)
        var = jnp.mean((x - mu) ** 2, axis=0)
        return (x - mu) / jnp.sqrt(var + 1e-5) * bn_gamma + bn_beta

    def nrm(x):
        return jnp.linalg.norm(x, axis=1, keepdims=True)

    # gci0_loss
    c = bn(jnp.take(go_embed, nf0[:, 0], axis=0))
    d = bn(jnp.take(go_embed, nf0[:, 1], axis=0))
    rc = jnp.abs(jnp.take(go_rad, nf0[:, 0], axis=0))
    rd = jnp.abs(jnp.take(go_rad, nf0[:, 1], axis=0))
    gci0 = jax.nn.relu(nrm(c - d) + rc - rd - MARGIN)

    # gci1_loss
    c = bn(jnp.take(go_embed, nf1[:, 0], axis=0))
    d = bn(jnp.take(go_embed, nf1[:, 1], axis=0))
    e = bn(jnp.take(go_embed, nf1[:, 2], axis=0))
    rc = jnp.abs(jnp.take(go_rad, nf1[:, 0], axis=0))
    rd = jnp.abs(jnp.take(go_rad, nf1[:, 1], axis=0))
    sr = rc + rd
    dst = nrm(c - d)
    dst2 = nrm(e - c)
    dst3 = nrm(e - d)
    gci1 = jax.nn.relu(dst - sr - MARGIN) + jax.nn.relu(dst2 - rc - MARGIN) + jax.nn.relu(dst3 - rd - MARGIN)

    # gci2_loss and gci2_loss_neg
    c = bn(jnp.take(go_embed, nf2[:, 0], axis=0))
    rE = jnp.take(rel_embed, nf2[:, 1], axis=0)
    d = bn(jnp.take(go_embed, nf2[:, 2], axis=0))
    rc = jnp.abs(jnp.take(go_rad, nf2[:, 1], axis=0))
    rd = jnp.abs(jnp.take(go_rad, nf2[:, 2], axis=0))
    dst = nrm(c + rE - d)
    gci2 = jax.nn.relu(dst + rc - rd - MARGIN)
    gci2n = jax.nn.relu(rc + rd - dst + MARGIN)

    # gci3_loss
    rE = jnp.take(rel_embed, nf3[:, 0], axis=0)
    c = bn(jnp.take(go_embed, nf3[:, 1], axis=0))
    d = bn(jnp.take(go_embed, nf3[:, 2], axis=0))
    rc = jnp.abs(jnp.take(go_rad, nf3[:, 1], axis=0))
    rd = jnp.abs(jnp.take(go_rad, nf3[:, 2], axis=0))
    gci3 = jax.nn.relu(nrm(c - rE - d) - rc - rd - MARGIN)

    loss = (jnp.mean(gci0) + jnp.mean(gci1) + jnp.mean(gci2)
            + jnp.mean(gci2n) + jnp.mean(gci3))
    return loss

if __name__ == "__main__":
    import jax
    _d = setup_inputs()
    print(jax.jit(kernel)(*tuple(_d.values())))

</pallas_src>

<mosaic_0001>
#map = affine_map<(d0, d1) -> (0, 0)>
#map1 = affine_map<(d0, d1) -> (0)>
module attributes {stable_mosaic.version = 14 : i64} {
  func.func @k(%arg0: i32, %arg1: i32, %arg2: memref<1000000x64xf32, #tpu.memory_space<hbm>>, %arg3: memref<524288xf32, #tpu.memory_space<hbm>>, %arg4: memref<32x4608xi32, #tpu.memory_space<hbm>>, %arg5: memref<32x4096xi32, #tpu.memory_space<hbm>>, %arg6: memref<147456x64xf32, #tpu.memory_space<hbm>>, %arg7: memref<131072xf32, #tpu.memory_space<hbm>>, %arg8: memref<4608xi32, #tpu.memory_space<vmem>>, %arg9: memref<4096xi32, #tpu.memory_space<vmem>>, %arg10: memref<384x64xf32, #tpu.memory_space<vmem>>, %arg11: memref<384x64xf32, #tpu.memory_space<vmem>>, %arg12: memref<1024xf32, #tpu.memory_space<vmem>>, %arg13: memref<1024xf32, #tpu.memory_space<vmem>>, %arg14: memref<32768xf32, #tpu.memory_space<vmem>>, %arg15: memref<524288xf32, #tpu.memory_space<vmem_shared>>, %arg16: memref<!tpu.dma_semaphore, #tpu.memory_space<semaphore_mem>>, %arg17: memref<!tpu.dma_semaphore, #tpu.memory_space<semaphore_mem>>) attributes {dimension_semantics = [#tpu.dimension_semantics<core_parallel>, #tpu.dimension_semantics<subcore_parallel>], iteration_bounds = array<i64: 2, 16>, scalar_prefetch = 0 : i64, scratch_operands = 10 : i64, tpu.core_type = #tpu.core_type<sc_vector_subcore>, window_params = [{transform_indices = #map}, {transform_indices = #map1}, {transform_indices = #map}, {transform_indices = #map}, {transform_indices = #map}, {transform_indices = #map1}]} {
    %mul3A = arith.constant 2 : i32
    %mul3A_0 = arith.muli %arg1, %mul3A : i32
    %add3A = arith.addi %mul3A_0, %arg0 : i32
    %mul3A_1 = arith.constant 4608 : i32
    %mul3A_2 = arith.muli %add3A, %mul3A_1 : i32
    %mul3A_3 = arith.constant 4096 : i32
    %mul3A_4 = arith.muli %add3A, %mul3A_3 : i32
    %mul3A_5 = arith.constant 32768 : i32
    %mul3A_6 = arith.muli %arg1, %mul3A_5 : i32
    "tpu.region"() ({
      %run_scoped3A = tpu.sem_alloc : memref<!tpu.dma_semaphore, #tpu.memory_space<semaphore_mem>>
      %dma_start3A_144 = tpu.memref_slice %arg3[%mul3A_6] : memref<524288xf32, #tpu.memory_space<hbm>> -> memref<32768xf32, #tpu.memory_space<hbm>>
      %dma_start3A_145 = tpu.memref_slice %arg3[%mul3A_6] : memref<524288xf32, #tpu.memory_space<hbm>> -> memref<32768xf32, #tpu.memory_space<hbm>>
      tpu.enqueue_dma source(%dma_start3A_145 : memref<32768xf32, #tpu.memory_space<hbm>>) target(%arg14 : memref<32768xf32, #tpu.memory_space<vmem>>) target_semaphore(%run_scoped3A : memref<!tpu.dma_semaphore, #tpu.memory_space<semaphore_mem>>)
      %dma_wait3A = tpu.memref_slice %arg3[%mul3A_6] : memref<524288xf32, #tpu.memory_space<hbm>> -> memref<32768xf32, #tpu.memory_space<hbm>>
      %dma_wait3A_146 = tpu.memref_slice %arg3[%mul3A_6] : memref<524288xf32, #tpu.memory_space<hbm>> -> memref<32768xf32, #tpu.memory_space<hbm>>
      tpu.wait_dma2 semaphore(%run_scoped3A : memref<!tpu.dma_semaphore, #tpu.memory_space<semaphore_mem>>) src(%dma_wait3A_146 : memref<32768xf32, #tpu.memory_space<hbm>>) dst(%arg14 : memref<32768xf32, #tpu.memory_space<vmem>>)
      tpu.yield
    }) : () -> ()
    "tpu.region"() ({
      %run_scoped3A = tpu.sem_alloc : memref<!tpu.dma_semaphore, #tpu.memory_space<semaphore_mem>>
      %dma_start3A_144 = tpu.memref_slice %arg15[%mul3A_6] : memref<524288xf32, #tpu.memory_space<vmem_shared>> -> memref<32768xf32, #tpu.memory_space<vmem_shared>>
      %dma_start3A_145 = tpu.memref_slice %arg15[%mul3A_6] : memref<524288xf32, #tpu.memory_space<vmem_shared>> -> memref<32768xf32, #tpu.memory_space<vmem_shared>>
      tpu.enqueue_dma source(%arg14 : memref<32768xf32, #tpu.memory_space<vmem>>) target(%dma_start3A_145 : memref<32768xf32, #tpu.memory_space<vmem_shared>>) target_semaphore(%run_scoped3A : memref<!tpu.dma_semaphore, #tpu.memory_space<semaphore_mem>>)
      %dma_wait3A = tpu.memref_slice %arg15[%mul3A_6] : memref<524288xf32, #tpu.memory_space<vmem_shared>> -> memref<32768xf32, #tpu.memory_space<vmem_shared>>
      %dma_wait3A_146 = tpu.memref_slice %arg15[%mul3A_6] : memref<524288xf32, #tpu.memory_space<vmem_shared>> -> memref<32768xf32, #tpu.memory_space<vmem_shared>>
      tpu.wait_dma2 semaphore(%run_scoped3A : memref<!tpu.dma_semaphore, #tpu.memory_space<semaphore_mem>>) src(%arg14 : memref<32768xf32, #tpu.memory_space<vmem>>) dst(%dma_wait3A_146 : memref<32768xf32, #tpu.memory_space<vmem_shared>>)
      tpu.yield
    }) : () -> ()
    "tpu.region"() ({
      %run_scoped3A = tpu.sem_alloc : memref<!tpu.dma_semaphore, #tpu.memory_space<semaphore_mem>>
      %dma_start3A_144 = arith.constant 0 : i32
      %dma_start3A_145 = tpu.memref_slice %arg4[%add3A, %dma_start3A_144] : memref<32x4608xi32, #tpu.memory_space<hbm>> -> memref<1x4608xi32, #tpu.memory_space<hbm>>
      %dma_start3A_146 = tpu.memref_squeeze %dma_start3A_145 : memref<1x4608xi32, #tpu.memory_space<hbm>> -> memref<4608xi32, #tpu.memory_space<hbm>>
      %dma_start3A_147 = arith.constant 0 : i32
      %dma_start3A_148 = tpu.memref_slice %arg4[%add3A, %dma_start3A_147] : memref<32x4608xi32, #tpu.memory_space<hbm>> -> memref<1x4608xi32, #tpu.memory_space<hbm>>
      %dma_start3A_149 = tpu.memref_squeeze %dma_start3A_148 : memref<1x4608xi32, #tpu.memory_space<hbm>> -> memref<4608xi32, #tpu.memory_space<hbm>>
      tpu.enqueue_dma source(%dma_start3A_149 : memref<4608xi32, #tpu.memory_space<hbm>>) target(%arg8 : memref<4608xi32, #tpu.memory_space<vmem>>) target_semaphore(%run_scoped3A : memref<!tpu.dma_semaphore, #tpu.memory_space<semaphore_mem>>)
      %dma_wait3A = arith.constant 0 : i32
      %dma_wait3A_150 = tpu.memref_slice %arg4[%add3A, %dma_wait3A] : memref<32x4608xi32, #tpu.memory_space<hbm>> -> memref<1x4608xi32, #tpu.memory_space<hbm>>
      %dma_wait3A_151 = tpu.memref_squeeze %dma_wait3A_150 : memref<1x4608xi32, #tpu.memory_space<hbm>> -> memref<4608xi32, #tpu.memory_space<hbm>>
      %dma_wait3A_152 = arith.constant 0 : i32
      %dma_wait3A_153 = tpu.memref_slice %arg4[%add3A, %dma_wait3A_152] : memref<32x4608xi32, #tpu.memory_space<hbm>> -> memref<1x4608xi32, #tpu.memory_space<hbm>>
      %dma_wait3A_154 = tpu.memref_squeeze %dma_wait3A_153 : memref<1x4608xi32, #tpu.memory_space<hbm>> -> memref<4608xi32, #tpu.memory_space<hbm>>
      tpu.wait_dma2 semaphore(%run_scoped3A : memref<!tpu.dma_semaphore, #tpu.memory_space<semaphore_mem>>) src(%dma_wait3A_154 : memref<4608xi32, #tpu.memory_space<hbm>>) dst(%arg8 : memref<4608xi32, #tpu.memory_space<vmem>>)
      tpu.yield
    }) : () -> ()
    "tpu.region"() ({
      %run_scoped3A = tpu.sem_alloc : memref<!tpu.dma_semaphore, #tpu.memory_space<semaphore_mem>>
      %dma_start3A_144 = arith.constant 0 : i32
      %dma_start3A_145 = tpu.memref_slice %arg5[%add3A, %dma_start3A_144] : memref<32x4096xi32, #tpu.memory_space<hbm>> -> memref<1x4096xi32, #tpu.memory_space<hbm>>
      %dma_start3A_146 = tpu.memref_squeeze %dma_start3A_145 : memref<1x4096xi32, #tpu.memory_space<hbm>> -> memref<4096xi32, #tpu.memory_space<hbm>>
      %dma_start3A_147 = arith.constant 0 : i32
      %dma_start3A_148 = tpu.memref_slice %arg5[%add3A, %dma_start3A_147] : memref<32x4096xi32, #tpu.memory_space<hbm>> -> memref<1x4096xi32, #tpu.memory_space<hbm>>
      %dma_start3A_149 = tpu.memref_squeeze %dma_start3A_148 : memref<1x4096xi32, #tpu.memory_space<hbm>> -> memref<4096xi32, #tpu.memory_space<hbm>>
      tpu.enqueue_dma source(%dma_start3A_149 : memref<4096xi32, #tpu.memory_space<hbm>>) target(%arg9 : memref<4096xi32, #tpu.memory_space<vmem>>) target_semaphore(%run_scoped3A : memref<!tpu.dma_semaphore, #tpu.memory_space<semaphore_mem>>)
      %dma_wait3A = arith.constant 0 : i32
      %dma_wait3A_150 = tpu.memref_slice %arg5[%add3A, %dma_wait3A] : memref<32x4096xi32, #tpu.memory_space<hbm>> -> memref<1x4096xi32, #tpu.memory_space<hbm>>
      %dma_wait3A_151 = tpu.memref_squeeze %dma_wait3A_150 : memref<1x4096xi32, #tpu.memory_space<hbm>> -> memref<4096xi32, #tpu.memory_space<hbm>>
      %dma_wait3A_152 = arith.constant 0 : i32
      %dma_wait3A_153 = tpu.memref_slice %arg5[%add3A, %dma_wait3A_152] : memref<32x4096xi32, #tpu.memory_space<hbm>> -> memref<1x4096xi32, #tpu.memory_space<hbm>>
      %dma_wait3A_154 = tpu.memref_squeeze %dma_wait3A_153 : memref<1x4096xi32, #tpu.memory_space<hbm>> -> memref<4096xi32, #tpu.memory_space<hbm>>
      tpu.wait_dma2 semaphore(%run_scoped3A : memref<!tpu.dma_semaphore, #tpu.memory_space<semaphore_mem>>) src(%dma_wait3A_154 : memref<4096xi32, #tpu.memory_space<hbm>>) dst(%arg9 : memref<4096xi32, #tpu.memory_space<vmem>>)
      tpu.yield
    }) : () -> ()
    %barrier3A = arith.constant 0 : index
    tpu.barrier barrier_id(%barrier3A)
    %get3A = arith.constant 0 : index
    %get3A_7 = tpu.vector_load %arg8[%get3A] {strides = array<i32>} : memref<4608xi32, #tpu.memory_space<vmem>>, vector<16xi32>,
    %get3A_8 = vector.shape_cast %get3A_7 : vector<16xi32> to vector<16xi32>
    %dma_start3A = arith.constant 0 : i32
    %dma_start3A_9 = arith.constant 0 : i32
    %dma_start3A_10 = tpu.memref_slice %arg10[%dma_start3A, %dma_start3A_9] : memref<384x64xf32, #tpu.memory_space<vmem>> -> memref<16x64xf32, #tpu.memory_space<vmem>>
    %dma_start3A_11 = arith.constant 0 : i32
    %dma_start3A_12 = arith.constant 0 : i32
    %dma_start3A_13 = tpu.memref_slice %arg2[%dma_start3A_11, %dma_start3A_12] : memref<1000000x64xf32, #tpu.memory_space<hbm>> -> memref<1000000x64xf32, #tpu.memory_space<hbm>>
    tpu.enqueue_indirect_dma source(%dma_start3A_13 : memref<1000000x64xf32, #tpu.memory_space<hbm>>) target(%dma_start3A_10 : memref<16x64xf32, #tpu.memory_space<vmem>>) offsets(%get3A_8 : vector<16xi32>) semaphore(%arg16 : memref<!tpu.dma_semaphore, #tpu.memory_space<semaphore_mem>>)
    %get3A_14 = arith.constant 16 : index
    %get3A_15 = tpu.vector_load %arg8[%get3A_14] {strides = array<i32>} : memref<4608xi32, #tpu.memory_space<vmem>>, vector<16xi32>,
    %get3A_16 = vector.shape_cast %get3A_15 : vector<16xi32> to vector<16xi32>
    %dma_start3A_17 = arith.constant 16 : i32
    %dma_start3A_18 = arith.constant 0 : i32
    %dma_start3A_19 = tpu.memref_slice %arg10[%dma_start3A_17, %dma_start3A_18] : memref<384x64xf32, #tpu.memory_space<vmem>> -> memref<16x64xf32, #tpu.memory_space<vmem>>
    %dma_start3A_20 = arith.constant 0 : i32
    %dma_start3A_21 = arith.constant 0 : i32
    %dma_start3A_22 = tpu.memref_slice %arg2[%dma_start3A_20, %dma_start3A_21] : memref<1000000x64xf32, #tpu.memory_space<hbm>> -> memref<1000000x64xf32, #tpu.memory_space<hbm>>
    tpu.enqueue_indirect_dma source(%dma_start3A_22 : memref<1000000x64xf32, #tpu.memory_space<hbm>>) target(%dma_start3A_19 : memref<16x64xf32, #tpu.memory_space<vmem>>) offsets(%get3A_16 : vector<16xi32>) semaphore(%arg16 : memref<!tpu.dma_semaphore, #tpu.memory_space<semaphore_mem>>)
    %get3A_23 = arith.constant 32 : index
    %get3A_24 = tpu.vector_load %arg8[%get3A_23] {strides = array<i32>} : memref<4608xi32, #tpu.memory_space<vmem>>, vector<16xi32>,
    %get3A_25 = vector.shape_cast %get3A_24 : vector<16xi32> to vector<16xi32>
    %dma_start3A_26 = arith.constant 32 : i32
    %dma_start3A_27 = arith.constant 0 : i32
    %dma_start3A_28 = tpu.memref_slice %arg10[%dma_start3A_26, %dma_start3A_27] : memref<384x64xf32, #tpu.memory_space<vmem>> -> memref<16x64xf32, #tpu.memory_space<vmem>>
    %dma_start3A_29 = arith.constant 0 : i32
    %dma_start3A_30 = arith.constant 0 : i32
    %dma_start3A_31 = tpu.memref_slice %arg2[%dma_start3A_29, %dma_start3A_30] : memref<1000000x64xf32, #tpu.memory_space<hbm>> -> memref<1000000x64xf32, #tpu.memory_space<hbm>>
    tpu.enqueue_indirect_dma source(%dma_start3A_31 : memref<1000000x64xf32, #tpu.memory_space<hbm>>) target(%dma_start3A_28 : memref<16x64xf32, #tpu.memory_space<vmem>>) offsets(%get3A_25 : vector<16xi32>) semaphore(%arg16 : memref<!tpu.dma_semaphore, #tpu.memory_space<semaphore_mem>>)
    %get3A_32 = arith.constant 48 : index
    %get3A_33 = tpu.vector_load %arg8[%get3A_32] {strides = array<i32>} : memref<4608xi32, #tpu.memory_space<vmem>>, vector<16xi32>,
    %get3A_34 = vector.shape_cast %get3A_33 : vector<16xi32> to vector<16xi32>
    %dma_start3A_35 = arith.constant 48 : i32
    %dma_start3A_36 = arith.constant 0 : i32
    %dma_start3A_37 = tpu.memref_slice %arg10[%dma_start3A_35, %dma_start3A_36] : memref<384x64xf32, #tpu.memory_space<vmem>> -> memref<16x64xf32, #tpu.memory_space<vmem>>
    %dma_start3A_38 = arith.constant 0 : i32
    %dma_start3A_39 = arith.constant 0 : i32
    %dma_start3A_40 = tpu.memref_slice %arg2[%dma_start3A_38, %dma_start3A_39] : memref<1000000x64xf32, #tpu.memory_space<hbm>> -> memref<1000000x64xf32, #tpu.memory_space<hbm>>
    tpu.enqueue_indirect_dma source(%dma_start3A_40 : memref<1000000x64xf32, #tpu.memory_space<hbm>>) target(%dma_start3A_37 : memref<16x64xf32, #tpu.memory_space<vmem>>) offsets(%get3A_34 : vector<16xi32>) semaphore(%arg16 : memref<!tpu.dma_semaphore, #tpu.memory_space<semaphore_mem>>)
    %get3A_41 = arith.constant 64 : index
    %get3A_42 = tpu.vector_load %arg8[%get3A_41] {strides = array<i32>} : memref<4608xi32, #tpu.memory_space<vmem>>, vector<16xi32>,
    %get3A_43 = vector.shape_cast %get3A_42 : vector<16xi32> to vector<16xi32>
    %dma_start3A_44 = arith.constant 64 : i32
    %dma_start3A_45 = arith.constant 0 : i32
    %dma_start3A_46 = tpu.memref_slice %arg10[%dma_start3A_44, %dma_start3A_45] : memref<384x64xf32, #tpu.memory_space<vmem>> -> memref<16x64xf32, #tpu.memory_space<vmem>>
    %dma_start3A_47 = arith.constant 0 : i32
    %dma_start3A_48 = arith.constant 0 : i32
    %dma_start3A_49 = tpu.memref_slice %arg2[%dma_start3A_47, %dma_start3A_48] : memref<1000000x64xf32, #tpu.memory_space<hbm>> -> memref<1000000x64xf32, #tpu.memory_space<hbm>>
    tpu.enqueue_indirect_dma source(%dma_start3A_49 : memref<1000000x64xf32, #tpu.memory_space<hbm>>) target(%dma_start3A_46 : memref<16x64xf32, #tpu.memory_space<vmem>>) offsets(%get3A_43 : vector<16xi32>) semaphore(%arg16 : memref<!tpu.dma_semaphore, #tpu.memory_space<semaphore_mem>>)
    %get3A_50 = arith.constant 80 : index
    %get3A_51 = tpu.vector_load %arg8[%get3A_50] {strides = array<i32>} : memref<4608xi32, #tpu.memory_space<vmem>>, vector<16xi32>,
    %get3A_52 = vector.shape_cast %get3A_51 : vector<16xi32> to vector<16xi32>
    %dma_start3A_53 = arith.constant 80 : i32
    %dma_start3A_54 = arith.constant 0 : i32
    %dma_start3A_55 = tpu.memref_slice %arg10[%dma_start3A_53, %dma_start3A_54] : memref<384x64xf32, #tpu.memory_space<vmem>> -> memref<16x64xf32, #tpu.memory_space<vmem>>
    %dma_start3A_56 = arith.constant 0 : i32
    %dma_start3A_57 = arith.constant 0 : i32
    %dma_start3A_58 = tpu.memref_slice %arg2[%dma_start3A_56, %dma_start3A_57] : memref<1000000x64xf32, #tpu.memory_space<hbm>> -> memref<1000000x64xf32, #tpu.memory_space<hbm>>
    tpu.enqueue_indirect_dma source(%dma_start3A_58 : memref<1000000x64xf32, #tpu.memory_space<hbm>>) target(%dma_start3A_55 : memref<16x64xf32, #tpu.memory_space<vmem>>) offsets(%get3A_52 : vector<16xi32>) semaphore(%arg16 : memref<!tpu.dma_semaphore, #tpu.memory_space<semaphore_mem>>)
    %get3A_59 = arith.constant 96 : index
    %get3A_60 = tpu.vector_load %arg8[%get3A_59] {strides = array<i32>} : memref<4608xi32, #tpu.memory_space<vmem>>, vector<16xi32>,
    %get3A_61 = vector.shape_cast %get3A_60 : vector<16xi32> to vector<16xi32>
    %dma_start3A_62 = arith.constant 96 : i32
    %dma_start3A_63 = arith.constant 0 : i32
    %dma_start3A_64 = tpu.memref_slice %arg10[%dma_start3A_62, %dma_start3A_63] : memref<384x64xf32, #tpu.memory_space<vmem>> -> memref<16x64xf32, #tpu.memory_space<vmem>>
    %dma_start3A_65 = arith.constant 0 : i32
    %dma_start3A_66 = arith.constant 0 : i32
    %dma_start3A_67 = tpu.memref_slice %arg2[%dma_start3A_65, %dma_start3A_66] : memref<1000000x64xf32, #tpu.memory_space<hbm>> -> memref<1000000x64xf32, #tpu.memory_space<hbm>>
    tpu.enqueue_indirect_dma source(%dma_start3A_67 : memref<1000000x64xf32, #tpu.memory_space<hbm>>) target(%dma_start3A_64 : memref<16x64xf32, #tpu.memory_space<vmem>>) offsets(%get3A_61 : vector<16xi32>) semaphore(%arg16 : memref<!tpu.dma_semaphore, #tpu.memory_space<semaphore_mem>>)
    %get3A_68 = arith.constant 112 : index
    %get3A_69 = tpu.vector_load %arg8[%get3A_68] {strides = array<i32>} : memref<4608xi32, #tpu.memory_space<vmem>>, vector<16xi32>,
    %get3A_70 = vector.shape_cast %get3A_69 : vector<16xi32> to vector<16xi32>
    %dma_start3A_71 = arith.constant 112 : i32
    %dma_start3A_72 = arith.constant 0 : i32
    %dma_start3A_73 = tpu.memref_slice %arg10[%dma_start3A_71, %dma_start3A_72] : memref<384x64xf32, #tpu.memory_space<vmem>> -> memref<16x64xf32, #tpu.memory_space<vmem>>
    %dma_start3A_74 = arith.constant 0 : i32
    %dma_start3A_75 = arith.constant 0 : i32
    %dma_start3A_76 = tpu.memref_slice %arg2[%dma_start3A_74, %dma_start3A_75] : memref<1000000x64xf32, #tpu.memory_space<hbm>> -> memref<1000000x64xf32, #tpu.memory_space<hbm>>
    tpu.enqueue_indirect_dma source(%dma_start3A_76 : memref<1000000x64xf32, #tpu.memory_space<hbm>>) target(%dma_start3A_73 : memref<16x64xf32, #tpu.memory_space<vmem>>) offsets(%get3A_70 : vector<16xi32>) semaphore(%arg16 : memref<!tpu.dma_semaphore, #tpu.memory_space<semaphore_mem>>)
    %scan3A = arith.constant 0 : i32
    %scan3A_77 = arith.constant 0 : i32
    %scan3A_78 = arith.constant 6 : i32
    %scan3A_79 = arith.addi %scan3A_77, %scan3A_78 : i32
    %scan3A_80 = arith.constant 1 : i32
    scf.for %scan3A_144 = %scan3A_77 to %scan3A_79 step %scan3A_80  : i32 {
      %mul3A_145 = arith.constant 2 : i32
      %mul3A_146 = arith.muli %mul3A_145, %scan3A_144 : i32
      %mul3A_147 = arith.constant 2 : i32
      %mul3A_148 = arith.muli %mul3A_147, %scan3A_144 : i32
      %add3A_149 = arith.constant 1 : i32
      %add3A_150 = arith.addi %mul3A_148, %add3A_149 : i32
      %mul3A_151 = arith.constant 128 : i32
      %mul3A_152 = arith.muli %add3A_150, %mul3A_151 : i32
      %add3A_153 = arith.constant 0 : i32
      %add3A_154 = arith.addi %mul3A_152, %add3A_153 : i32
      %get3A_155 = arith.index_cast %add3A_154 : i32 to index
      %get3A_156 = tpu.vector_load %arg8[%get3A_155] {strides = array<i32>} : memref<4608xi32, #tpu.memory_space<vmem>>, vector<16xi32>,
      %get3A_157 = vector.shape_cast %get3A_156 : vector<16xi32> to vector<16xi32>
      %dma_start3A_158 = arith.constant 0 : i32
      %dma_start3A_159 = arith.constant 0 : i32
      %dma_start3A_160 = tpu.memref_slice %arg11[%dma_start3A_158, %dma_start3A_159] : memref<384x64xf32, #tpu.memory_space<vmem>> -> memref<16x64xf32, #tpu.memory_space<vmem>>
      %dma_start3A_161 = arith.constant 0 : i32
      %dma_start3A_162 = arith.constant 0 : i32
      %dma_start3A_163 = tpu.memref_slice %arg2[%dma_start3A_161, %dma_start3A_162] : memref<1000000x64xf32, #tpu.memory_space<hbm>> -> memref<1000000x64xf32, #tpu.memory_space<hbm>>
      tpu.enqueue_indirect_dma source(%dma_start3A_163 : memref<1000000x64xf32, #tpu.memory_space<hbm>>) target(%dma_start3A_160 : memref<16x64xf32, #tpu.memory_space<vmem>>) offsets(%get3A_157 : vector<16xi32>) semaphore(%arg17 : memref<!tpu.dma_semaphore, #tpu.memory_space<semaphore_mem>>)
      %mul3A_164 = arith.constant 128 : i32
      %mul3A_165 = arith.muli %add3A_150, %mul3A_164 : i32
      %add3A_166 = arith.constant 16 : i32
      %add3A_167 = arith.addi %mul3A_165, %add3A_166 : i32
      %get3A_168 = arith.index_cast %add3A_167 : i32 to index
      %get3A_169 = tpu.vector_load %arg8[%get3A_168] {strides = array<i32>} : memref<4608xi32, #tpu.memory_space<vmem>>, vector<16xi32>,
      %get3A_170 = vector.shape_cast %get3A_169 : vector<16xi32> to vector<16xi32>
      %dma_start3A_171 = arith.constant 16 : i32
      %dma_start3A_172 = arith.constant 0 : i32
      %dma_start3A_173 = tpu.memref_slice %arg11[%dma_start3A_171, %dma_start3A_172] : memref<384x64xf32, #tpu.memory_space<vmem>> -> memref<16x64xf32, #tpu.memory_space<vmem>>
      %dma_start3A_174 = arith.constant 0 : i32
      %dma_start3A_175 = arith.constant 0 : i32
      %dma_start3A_176 = tpu.memref_slice %arg2[%dma_start3A_174, %dma_start3A_175] : memref<1000000x64xf32, #tpu.memory_space<hbm>> -> memref<1000000x64xf32, #tpu.memory_space<hbm>>
      tpu.enqueue_indirect_dma source(%dma_start3A_176 : memref<1000000x64xf32, #tpu.memory_space<hbm>>) target(%dma_start3A_173 : memref<16x64xf32, #tpu.memory_space<vmem>>) offsets(%get3A_170 : vector<16xi32>) semaphore(%arg17 : memref<!tpu.dma_semaphore, #tpu.memory_space<semaphore_mem>>)
      %mul3A_177 = arith.constant 128 : i32
      %mul3A_178 = arith.muli %add3A_150, %mul3A_177 : i32
      %add3A_179 = arith.constant 32 : i32
      %add3A_180 = arith.addi %mul3A_178, %add3A_179 : i32
      %get3A_181 = arith.index_cast %add3A_180 : i32 to index
      %get3A_182 = tpu.vector_load %arg8[%get3A_181] {strides = array<i32>} : memref<4608xi32, #tpu.memory_space<vmem>>, vector<16xi32>,
      %get3A_183 = vector.shape_cast %get3A_182 : vector<16xi32> to vector<16xi32>
      %dma_start3A_184 = arith.constant 32 : i32
      %dma_start3A_185 = arith.constant 0 : i32
      %dma_start3A_186 = tpu.memref_slice %arg11[%dma_start3A_184, %dma_start3A_185] : memref<384x64xf32, #tpu.memory_space<vmem>> -> memref<16x64xf32, #tpu.memory_space<vmem>>
      %dma_start3A_187 = arith.constant 0 : i32
      %dma_start3A_188 = arith.constant 0 : i32
      %dma_start3A_189 = tpu.memref_slice %arg2[%dma_start3A_187, %dma_start3A_188] : memref<1000000x64xf32, #tpu.memory_space<hbm>> -> memref<1000000x64xf32, #tpu.memory_space<hbm>>
      tpu.enqueue_indirect_dma source(%dma_start3A_189 : memref<1000000x64xf32, #tpu.memory_space<hbm>>) target(%dma_start3A_186 : memref<16x64xf32, #tpu.memory_space<vmem>>) offsets(%get3A_183 : vector<16xi32>) semaphore(%arg17 : memref<!tpu.dma_semaphore, #tpu.memory_space<semaphore_mem>>)
      %mul3A_190 = arith.constant 128 : i32
      %mul3A_191 = arith.muli %add3A_150, %mul3A_190 : i32
      %add3A_192 = arith.constant 48 : i32
      %add3A_193 = arith.addi %mul3A_191, %add3A_192 : i32
      %get3A_194 = arith.index_cast %add3A_193 : i32 to index
      %get3A_195 = tpu.vector_load %arg8[%get3A_194] {strides = array<i32>} : memref<4608xi32, #tpu.memory_space<vmem>>, vector<16xi32>,
      %get3A_196 = vector.shape_cast %get3A_195 : vector<16xi32> to vector<16xi32>
      %dma_start3A_197 = arith.constant 48 : i32
      %dma_start3A_198 = arith.constant 0 : i32
      %dma_start3A_199 = tpu.memref_slice %arg11[%dma_start3A_197, %dma_start3A_198] : memref<384x64xf32, #tpu.memory_space<vmem>> -> memref<16x64xf32, #tpu.memory_space<vmem>>
      %dma_start3A_200 = arith.constant 0 : i32
      %dma_start3A_201 = arith.constant 0 : i32
      %dma_start3A_202 = tpu.memref_slice %arg2[%dma_start3A_200, %dma_start3A_201] : memref<1000000x64xf32, #tpu.memory_space<hbm>> -> memref<1000000x64xf32, #tpu.memory_space<hbm>>
      tpu.enqueue_indirect_dma source(%dma_start3A_202 : memref<1000000x64xf32, #tpu.memory_space<hbm>>) target(%dma_start3A_199 : memref<16x64xf32, #tpu.memory_space<vmem>>) offsets(%get3A_196 : vector<16xi32>) semaphore(%arg17 : memref<!tpu.dma_semaphore, #tpu.memory_space<semaphore_mem>>)
      %mul3A_203 = arith.constant 128 : i32
      %mul3A_204 = arith.muli %add3A_150, %mul3A_203 : i32
      %add3A_205 = arith.constant 64 : i32
      %add3A_206 = arith.addi %mul3A_204, %add3A_205 : i32
      %get3A_207 = arith.index_cast %add3A_206 : i32 to index
      %get3A_208 = tpu.vector_load %arg8[%get3A_207] {strides = array<i32>} : memref<4608xi32, #tpu.memory_space<vmem>>, vector<16xi32>,
      %get3A_209 = vector.shape_cast %get3A_208 : vector<16xi32> to vector<16xi32>
      %dma_start3A_210 = arith.constant 64 : i32
      %dma_start3A_211 = arith.constant 0 : i32
      %dma_start3A_212 = tpu.memref_slice %arg11[%dma_start3A_210, %dma_start3A_211] : memref<384x64xf32, #tpu.memory_space<vmem>> -> memref<16x64xf32, #tpu.memory_space<vmem>>
      %dma_start3A_213 = arith.constant 0 : i32
      %dma_start3A_214 = arith.constant 0 : i32
      %dma_start3A_215 = tpu.memref_slice %arg2[%dma_start3A_213, %dma_start3A_214] : memref<1000000x64xf32, #tpu.memory_space<hbm>> -> memref<1000000x64xf32, #tpu.memory_space<hbm>>
      tpu.enqueue_indirect_dma source(%dma_start3A_215 : memref<1000000x64xf32, #tpu.memory_space<hbm>>) target(%dma_start3A_212 : memref<16x64xf32, #tpu.memory_space<vmem>>) offsets(%get3A_209 : vector<16xi32>) semaphore(%arg17 : memref<!tpu.dma_semaphore, #tpu.memory_space<semaphore_mem>>)
      %mul3A_216 = arith.constant 128 : i32
      %mul3A_217 = arith.muli %add3A_150, %mul3A_216 : i32
      %add3A_218 = arith.constant 80 : i32
      %add3A_219 = arith.addi %mul3A_217, %add3A_218 : i32
      %get3A_220 = arith.index_cast %add3A_219 : i32 to index
      %get3A_221 = tpu.vector_load %arg8[%get3A_220] {strides = array<i32>} : memref<4608xi32, #tpu.memory_space<vmem>>, vector<16xi32>,
      %get3A_222 = vector.shape_cast %get3A_221 : vector<16xi32> to vector<16xi32>
      %dma_start3A_223 = arith.constant 80 : i32
      %dma_start3A_224 = arith.constant 0 : i32
      %dma_start3A_225 = tpu.memref_slice %arg11[%dma_start3A_223, %dma_start3A_224] : memref<384x64xf32, #tpu.memory_space<vmem>> -> memref<16x64xf32, #tpu.memory_space<vmem>>
      %dma_start3A_226 = arith.constant 0 : i32
      %dma_start3A_227 = arith.constant 0 : i32
      %dma_start3A_228 = tpu.memref_slice %arg2[%dma_start3A_226, %dma_start3A_227] : memref<1000000x64xf32, #tpu.memory_space<hbm>> -> memref<1000000x64xf32, #tpu.memory_space<hbm>>
      tpu.enqueue_indirect_dma source(%dma_start3A_228 : memref<1000000x64xf32, #tpu.memory_space<hbm>>) target(%dma_start3A_225 : memref<16x64xf32, #tpu.memory_space<vmem>>) offsets(%get3A_222 : vector<16xi32>) semaphore(%arg17 : memref<!tpu.dma_semaphore, #tpu.memory_space<semaphore_mem>>)
      %mul3A_229 = arith.constant 128 : i32
      %mul3A_230 = arith.muli %add3A_150, %mul3A_229 : i32
      %add3A_231 = arith.constant 96 : i32
      %add3A_232 = arith.addi %mul3A_230, %add3A_231 : i32
      %get3A_233 = arith.index_cast %add3A_232 : i32 to index
      %get3A_234 = tpu.vector_load %arg8[%get3A_233] {strides = array<i32>} : memref<4608xi32, #tpu.memory_space<vmem>>, vector<16xi32>,
      %get3A_235 = vector.shape_cast %get3A_234 : vector<16xi32> to vector<16xi32>
      %dma_start3A_236 = arith.constant 96 : i32
      %dma_start3A_237 = arith.constant 0 : i32
      %dma_start3A_238 = tpu.memref_slice %arg11[%dma_start3A_236, %dma_start3A_237] : memref<384x64xf32, #tpu.memory_space<vmem>> -> memref<16x64xf32, #tpu.memory_space<vmem>>
      %dma_start3A_239 = arith.constant 0 : i32
      %dma_start3A_240 = arith.constant 0 : i32
      %dma_start3A_241 = tpu.memref_slice %arg2[%dma_start3A_239, %dma_start3A_240] : memref<1000000x64xf32, #tpu.memory_space<hbm>> -> memref<1000000x64xf32, #tpu.memory_space<hbm>>
      tpu.enqueue_indirect_dma source(%dma_start3A_241 : memref<1000000x64xf32, #tpu.memory_space<hbm>>) target(%dma_start3A_238 : memref<16x64xf32, #tpu.memory_space<vmem>>) offsets(%get3A_235 : vector<16xi32>) semaphore(%arg17 : memref<!tpu.dma_semaphore, #tpu.memory_space<semaphore_mem>>)
      %mul3A_242 = arith.constant 128 : i32
      %mul3A_243 = arith.muli %add3A_150, %mul3A_242 : i32
      %add3A_244 = arith.constant 112 : i32
      %add3A_245 = arith.addi %mul3A_243, %add3A_244 : i32
      %get3A_246 = arith.index_cast %add3A_245 : i32 to index
      %get3A_247 = tpu.vector_load %arg8[%get3A_246] {strides = array<i32>} : memref<4608xi32, #tpu.memory_space<vmem>>, vector<16xi32>,
      %get3A_248 = vector.shape_cast %get3A_247 : vector<16xi32> to vector<16xi32>
      %dma_start3A_249 = arith.constant 112 : i32
      %dma_start3A_250 = arith.constant 0 : i32
      %dma_start3A_251 = tpu.memref_slice %arg11[%dma_start3A_249, %dma_start3A_250] : memref<384x64xf32, #tpu.memory_space<vmem>> -> memref<16x64xf32, #tpu.memory_space<vmem>>
      %dma_start3A_252 = arith.constant 0 : i32
      %dma_start3A_253 = arith.constant 0 : i32
      %dma_start3A_254 = tpu.memref_slice %arg2[%dma_start3A_252, %dma_start3A_253] : memref<1000000x64xf32, #tpu.memory_space<hbm>> -> memref<1000000x64xf32, #tpu.memory_space<hbm>>
      tpu.enqueue_indirect_dma source(%dma_start3A_254 : memref<1000000x64xf32, #tpu.memory_space<hbm>>) target(%dma_start3A_251 : memref<16x64xf32, #tpu.memory_space<vmem>>) offsets(%get3A_248 : vector<16xi32>) semaphore(%arg17 : memref<!tpu.dma_semaphore, #tpu.memory_space<semaphore_mem>>)
      %dma_wait3A = arith.constant 0 : i32
      %dma_wait3A_255 = arith.constant 0 : i32
      %dma_wait3A_256 = tpu.memref_slice %arg10[%dma_wait3A, %dma_wait3A_255] : memref<384x64xf32, #tpu.memory_space<vmem>> -> memref<16x64xf32, #tpu.memory_space<vmem>>
      %dma_wait3A_257 = arith.constant 0 : i32
      %dma_wait3A_258 = tpu.memref_slice %arg6[%mul3A_2, %dma_wait3A_257] : memref<147456x64xf32, #tpu.memory_space<hbm>> -> memref<16x64xf32, #tpu.memory_space<hbm>>
      %dma_wait3A_259 = arith.constant 0 : i32
      %dma_wait3A_260 = arith.constant 0 : i32
      %dma_wait3A_261 = tpu.memref_slice %arg10[%dma_wait3A_259, %dma_wait3A_260] : memref<384x64xf32, #tpu.memory_space<vmem>> -> memref<16x64xf32, #tpu.memory_space<vmem>>
      %dma_wait3A_262 = arith.constant 0 : i32
      %dma_wait3A_263 = tpu.memref_slice %arg6[%mul3A_2, %dma_wait3A_262] : memref<147456x64xf32, #tpu.memory_space<hbm>> -> memref<16x64xf32, #tpu.memory_space<hbm>>
      tpu.wait_dma2 semaphore(%arg16 : memref<!tpu.dma_semaphore, #tpu.memory_space<semaphore_mem>>) src(%dma_wait3A_263 : memref<16x64xf32, #tpu.memory_space<hbm>>) dst(%dma_wait3A_261 : memref<16x64xf32, #tpu.memory_space<vmem>>)
      %dma_wait3A_264 = arith.constant 16 : i32
      %dma_wait3A_265 = arith.constant 0 : i32
      %dma_wait3A_266 = tpu.memref_slice %arg10[%dma_wait3A_264, %dma_wait3A_265] : memref<384x64xf32, #tpu.memory_space<vmem>> -> memref<16x64xf32, #tpu.memory_space<vmem>>
      %dma_wait3A_267 = arith.constant 0 : i32
      %dma_wait3A_268 = tpu.memref_slice %arg6[%mul3A_2, %dma_wait3A_267] : memref<147456x64xf32, #tpu.memory_space<hbm>> -> memref<16x64xf32, #tpu.memory_space<hbm>>
      %dma_wait3A_269 = arith.constant 16 : i32
      %dma_wait3A_270 = arith.constant 0 : i32
      %dma_wait3A_271 = tpu.memref_slice %arg10[%dma_wait3A_269, %dma_wait3A_270] : memref<384x64xf32, #tpu.memory_space<vmem>> -> memref<16x64xf32, #tpu.memory_space<vmem>>
      %dma_wait3A_272 = arith.constant 0 : i32
      %dma_wait3A_273 = tpu.memref_slice %arg6[%mul3A_2, %dma_wait3A_272] : memref<147456x64xf32, #tpu.memory_space<hbm>> -> memref<16x64xf32, #tpu.memory_space<hbm>>
      tpu.wait_dma2 semaphore(%arg16 : memref<!tpu.dma_semaphore, #tpu.memory_space<semaphore_mem>>) src(%dma_wait3A_273 : memref<16x64xf32, #tpu.memory_space<hbm>>) dst(%dma_wait3A_271 : memref<16x64xf32, #tpu.memory_space<vmem>>)
      %dma_wait3A_274 = arith.constant 32 : i32
      %dma_wait3A_275 = arith.constant 0 : i32
      %dma_wait3A_276 = tpu.memref_slice %arg10[%dma_wait3A_274, %dma_wait3A_275] : memref<384x64xf32, #tpu.memory_space<vmem>> -> memref<16x64xf32, #tpu.memory_space<vmem>>
      %dma_wait3A_277 = arith.constant 0 : i32
      %dma_wait3A_278 = tpu.memref_slice %arg6[%mul3A_2, %dma_wait3A_277] : memref<147456x64xf32, #tpu.memory_space<hbm>> -> memref<16x64xf32, #tpu.memory_space<hbm>>
      %dma_wait3A_279 = arith.constant 32 : i32
      %dma_wait3A_280 = arith.constant 0 : i32
      %dma_wait3A_281 = tpu.memref_slice %arg10[%dma_wait3A_279, %dma_wait3A_280] : memref<384x64xf32, #tpu.memory_space<vmem>> -> memref<16x64xf32, #tpu.memory_space<vmem>>
      %dma_wait3A_282 = arith.constant 0 : i32
      %dma_wait3A_283 = tpu.memref_slice %arg6[%mul3A_2, %dma_wait3A_282] : memref<147456x64xf32, #tpu.memory_space<hbm>> -> memref<16x64xf32, #tpu.memory_space<hbm>>
      tpu.wait_dma2 semaphore(%arg16 : memref<!tpu.dma_semaphore, #tpu.memory_space<semaphore_mem>>) src(%dma_wait3A_283 : memref<16x64xf32, #tpu.memory_space<hbm>>) dst(%dma_wait3A_281 : memref<16x64xf32, #tpu.memory_space<vmem>>)
      %dma_wait3A_284 = arith.constant 48 : i32
      %dma_wait3A_285 = arith.constant 0 : i32
      %dma_wait3A_286 = tpu.memref_slice %arg10[%dma_wait3A_284, %dma_wait3A_285] : memref<384x64xf32, #tpu.memory_space<vmem>> -> memref<16x64xf32, #tpu.memory_space<vmem>>
      %dma_wait3A_287 = arith.constant 0 : i32
      %dma_wait3A_288 = tpu.memref_slice %arg6[%mul3A_2, %dma_wait3A_287] : memref<147456x64xf32, #tpu.memory_space<hbm>> -> memref<16x64xf32, #tpu.memory_space<hbm>>
      %dma_wait3A_289 = arith.constant 48 : i32
      %dma_wait3A_290 = arith.constant 0 : i32
      %dma_wait3A_291 = tpu.memref_slice %arg10[%dma_wait3A_289, %dma_wait3A_290] : memref<384x64xf32, #tpu.memory_space<vmem>> -> memref<16x64xf32, #tpu.memory_space<vmem>>
      %dma_wait3A_292 = arith.constant 0 : i32
      %dma_wait3A_293 = tpu.memref_slice %arg6[%mul3A_2, %dma_wait3A_292] : memref<147456x64xf32, #tpu.memory_space<hbm>> -> memref<16x64xf32, #tpu.memory_space<hbm>>
      tpu.wait_dma2 semaphore(%arg16 : memref<!tpu.dma_semaphore, #tpu.memory_space<semaphore_mem>>) src(%dma_wait3A_293 : memref<16x64xf32, #tpu.memory_space<hbm>>) dst(%dma_wait3A_291 : memref<16x64xf32, #tpu.memory_space<vmem>>)
      %dma_wait3A_294 = arith.constant 64 : i32
      %dma_wait3A_295 = arith.constant 0 : i32
      %dma_wait3A_296 = tpu.memref_slice %arg10[%dma_wait3A_294, %dma_wait3A_295] : memref<384x64xf32, #tpu.memory_space<vmem>> -> memref<16x64xf32, #tpu.memory_space<vmem>>
      %dma_wait3A_297 = arith.constant 0 : i32
      %dma_wait3A_298 = tpu.memref_slice %arg6[%mul3A_2, %dma_wait3A_297] : memref<147456x64xf32, #tpu.memory_space<hbm>> -> memref<16x64xf32, #tpu.memory_space<hbm>>
      %dma_wait3A_299 = arith.constant 64 : i32
      %dma_wait3A_300 = arith.constant 0 : i32
      %dma_wait3A_301 = tpu.memref_slice %arg10[%dma_wait3A_299, %dma_wait3A_300] : memref<384x64xf32, #tpu.memory_space<vmem>> -> memref<16x64xf32, #tpu.memory_space<vmem>>
      %dma_wait3A_302 = arith.constant 0 : i32
      %dma_wait3A_303 = tpu.memref_slice %arg6[%mul3A_2, %dma_wait3A_302] : memref<147456x64xf32, #tpu.memory_space<hbm>> -> memref<16x64xf32, #tpu.memory_space<hbm>>
      tpu.wait_dma2 semaphore(%arg16 : memref<!tpu.dma_semaphore, #tpu.memory_space<semaphore_mem>>) src(%dma_wait3A_303 : memref<16x64xf32, #tpu.memory_space<hbm>>) dst(%dma_wait3A_301 : memref<16x64xf32, #tpu.memory_space<vmem>>)
      %dma_wait3A_304 = arith.constant 80 : i32
      %dma_wait3A_305 = arith.constant 0 : i32
      %dma_wait3A_306 = tpu.memref_slice %arg10[%dma_wait3A_304, %dma_wait3A_305] : memref<384x64xf32, #tpu.memory_space<vmem>> -> memref<16x64xf32, #tpu.memory_space<vmem>>
      %dma_wait3A_307 = arith.constant 0 : i32
      %dma_wait3A_308 = tpu.memref_slice %arg6[%mul3A_2, %dma_wait3A_307] : memref<147456x64xf32, #tpu.memory_space<hbm>> -> memref<16x64xf32, #tpu.memory_space<hbm>>
      %dma_wait3A_309 = arith.constant 80 : i32
      %dma_wait3A_310 = arith.constant 0 : i32
      %dma_wait3A_311 = tpu.memref_slice %arg10[%dma_wait3A_309, %dma_wait3A_310] : memref<384x64xf32, #tpu.memory_space<vmem>> -> memref<16x64xf32, #tpu.memory_space<vmem>>
      %dma_wait3A_312 = arith.constant 0 : i32
      %dma_wait3A_313 = tpu.memref_slice %arg6[%mul3A_2, %dma_wait3A_312] : memref<147456x64xf32, #tpu.memory_space<hbm>> -> memref<16x64xf32, #tpu.memory_space<hbm>>
      tpu.wait_dma2 semaphore(%arg16 : memref<!tpu.dma_semaphore, #tpu.memory_space<semaphore_mem>>) src(%dma_wait3A_313 : memref<16x64xf32, #tpu.memory_space<hbm>>) dst(%dma_wait3A_311 : memref<16x64xf32, #tpu.memory_space<vmem>>)
      %dma_wait3A_314 = arith.constant 96 : i32
      %dma_wait3A_315 = arith.constant 0 : i32
      %dma_wait3A_316 = tpu.memref_slice %arg10[%dma_wait3A_314, %dma_wait3A_315] : memref<384x64xf32, #tpu.memory_space<vmem>> -> memref<16x64xf32, #tpu.memory_space<vmem>>
      %dma_wait3A_317 = arith.constant 0 : i32
      %dma_wait3A_318 = tpu.memref_slice %arg6[%mul3A_2, %dma_wait3A_317] : memref<147456x64xf32, #tpu.memory_space<hbm>> -> memref<16x64xf32, #tpu.memory_space<hbm>>
      %dma_wait3A_319 = arith.constant 96 : i32
      %dma_wait3A_320 = arith.constant 0 : i32
      %dma_wait3A_321 = tpu.memref_slice %arg10[%dma_wait3A_319, %dma_wait3A_320] : memref<384x64xf32, #tpu.memory_space<vmem>> -> memref<16x64xf32, #tpu.memory_space<vmem>>
      %dma_wait3A_322 = arith.constant 0 : i32
      %dma_wait3A_323 = tpu.memref_slice %arg6[%mul3A_2, %dma_wait3A_322] : memref<147456x64xf32, #tpu.memory_space<hbm>> -> memref<16x64xf32, #tpu.memory_space<hbm>>
      tpu.wait_dma2 semaphore(%arg16 : memref<!tpu.dma_semaphore, #tpu.memory_space<semaphore_mem>>) src(%dma_wait3A_323 : memref<16x64xf32, #tpu.memory_space<hbm>>) dst(%dma_wait3A_321 : memref<16x64xf32, #tpu.memory_space<vmem>>)
      %dma_wait3A_324 = arith.constant 112 : i32
      %dma_wait3A_325 = arith.constant 0 : i32
      %dma_wait3A_326 = tpu.memref_slice %arg10[%dma_wait3A_324, %dma_wait3A_325] : memref<384x64xf32, #tpu.memory_space<vmem>> -> memref<16x64xf32, #tpu.memory_space<vmem>>
      %dma_wait3A_327 = arith.constant 0 : i32
      %dma_wait3A_328 = tpu.memref_slice %arg6[%mul3A_2, %dma_wait3A_327] : memref<147456x64xf32, #tpu.memory_space<hbm>> -> memref<16x64xf32, #tpu.memory_space<hbm>>
      %dma_wait3A_329 = arith.constant 112 : i32
      %dma_wait3A_330 = arith.constant 0 : i32
      %dma_wait3A_331 = tpu.memref_slice %arg10[%dma_wait3A_329, %dma_wait3A_330] : memref<384x64xf32, #tpu.memory_space<vmem>> -> memref<16x64xf32, #tpu.memory_space<vmem>>
      %dma_wait3A_332 = arith.constant 0 : i32
      %dma_wait3A_333 = tpu.memref_slice %arg6[%mul3A_2, %dma_wait3A_332] : memref<147456x64xf32, #tpu.memory_space<hbm>> -> memref<16x64xf32, #tpu.memory_space<hbm>>
      tpu.wait_dma2 semaphore(%arg16 : memref<!tpu.dma_semaphore, #tpu.memory_space<semaphore_mem>>) src(%dma_wait3A_333 : memref<16x64xf32, #tpu.memory_space<hbm>>) dst(%dma_wait3A_331 : memref<16x64xf32, #tpu.memory_space<vmem>>)
      %mul3A_334 = arith.constant 384 : i32
      %mul3A_335 = arith.muli %mul3A_146, %mul3A_334 : i32
      %add3A_336 = arith.addi %mul3A_2, %mul3A_335 : i32
      "tpu.region"() ({
        %run_scoped3A = tpu.sem_alloc : memref<!tpu.dma_semaphore, #tpu.memory_space<semaphore_mem>>
        %dma_start3A_424 = arith.constant 0 : i32
        %dma_start3A_425 = tpu.memref_slice %arg6[%add3A_336, %dma_start3A_424] : memref<147456x64xf32, #tpu.memory_space<hbm>> -> memref<384x64xf32, #tpu.memory_space<hbm>>
        %dma_start3A_426 = arith.constant 0 : i32
        %dma_start3A_427 = tpu.memref_slice %arg6[%add3A_336, %dma_start3A_426] : memref<147456x64xf32, #tpu.memory_space<hbm>> -> memref<384x64xf32, #tpu.memory_space<hbm>>
        tpu.enqueue_dma source(%arg10 : memref<384x64xf32, #tpu.memory_space<vmem>>) target(%dma_start3A_427 : memref<384x64xf32, #tpu.memory_space<hbm>>) target_semaphore(%run_scoped3A : memref<!tpu.dma_semaphore, #tpu.memory_space<semaphore_mem>>)
        %dma_wait3A_428 = arith.constant 0 : i32
        %dma_wait3A_429 = tpu.memref_slice %arg6[%add3A_336, %dma_wait3A_428] : memref<147456x64xf32, #tpu.memory_space<hbm>> -> memref<384x64xf32, #tpu.memory_space<hbm>>
        %dma_wait3A_430 = arith.constant 0 : i32
        %dma_wait3A_431 = tpu.memref_slice %arg6[%add3A_336, %dma_wait3A_430] : memref<147456x64xf32, #tpu.memory_space<hbm>> -> memref<384x64xf32, #tpu.memory_space<hbm>>
        tpu.wait_dma2 semaphore(%run_scoped3A : memref<!tpu.dma_semaphore, #tpu.memory_space<semaphore_mem>>) src(%arg10 : memref<384x64xf32, #tpu.memory_space<vmem>>) dst(%dma_wait3A_431 : memref<384x64xf32, #tpu.memory_space<hbm>>)
        tpu.yield
      }) : () -> ()
      %add3A_337 = arith.constant 1 : i32
      %add3A_338 = arith.addi %add3A_150, %add3A_337 : i32
      %lt3A = arith.constant 12 : i32
      %lt3A_339 = arith.cmpi slt, %add3A_338, %lt3A : i32
      %convert_element_type3A = arith.extui %lt3A_339 : i1 to i32
      %cond3A = arith.constant 0 : i32
      %cond3A_340 = arith.cmpi ne, %convert_element_type3A, %cond3A : i32
      scf.if %cond3A_340 {
        %add3A_424 = arith.constant 1 : i32
        %add3A_425 = arith.addi %add3A_150, %add3A_424 : i32
        %mul3A_426 = arith.constant 128 : i32
        %mul3A_427 = arith.muli %add3A_425, %mul3A_426 : i32
        %add3A_428 = arith.constant 0 : i32
        %add3A_429 = arith.addi %mul3A_427, %add3A_428 : i32
        %get3A_430 = arith.index_cast %add3A_429 : i32 to index
        %get3A_431 = tpu.vector_load %arg8[%get3A_430] {strides = array<i32>} : memref<4608xi32, #tpu.memory_space<vmem>>, vector<16xi32>,
        %get3A_432 = vector.shape_cast %get3A_431 : vector<16xi32> to vector<16xi32>
        %dma_start3A_433 = arith.constant 0 : i32
        %dma_start3A_434 = arith.constant 0 : i32
        %dma_start3A_435 = tpu.memref_slice %arg10[%dma_start3A_433, %dma_start3A_434] : memref<384x64xf32, #tpu.memory_space<vmem>> -> memref<16x64xf32, #tpu.memory_space<vmem>>
        %dma_start3A_436 = arith.constant 0 : i32
        %dma_start3A_437 = arith.constant 0 : i32
        %dma_start3A_438 = tpu.memref_slice %arg2[%dma_start3A_436, %dma_start3A_437] : memref<1000000x64xf32, #tpu.memory_space<hbm>> -> memref<1000000x64xf32, #tpu.memory_space<hbm>>
        tpu.enqueue_indirect_dma source(%dma_start3A_438 : memref<1000000x64xf32, #tpu.memory_space<hbm>>) target(%dma_start3A_435 : memref<16x64xf32, #tpu.memory_space<vmem>>) offsets(%get3A_432 : vector<16xi32>) semaphore(%arg16 : memref<!tpu.dma_semaphore, #tpu.memory_space<semaphore_mem>>)
        %mul3A_439 = arith.constant 128 : i32
        %mul3A_440 = arith.muli %add3A_425, %mul3A_439 : i32
        %add3A_441 = arith.constant 16 : i32
        %add3A_442 = arith.addi %mul3A_440, %add3A_441 : i32
        %get3A_443 = arith.index_cast %add3A_442 : i32 to index
        %get3A_444 = tpu.vector_load %arg8[%get3A_443] {strides = array<i32>} : memref<4608xi32, #tpu.memory_space<vmem>>, vector<16xi32>,
        %get3A_445 = vector.shape_cast %get3A_444 : vector<16xi32> to vector<16xi32>
        %dma_start3A_446 = arith.constant 16 : i32
        %dma_start3A_447 = arith.constant 0 : i32
        %dma_start3A_448 = tpu.memref_slice %arg10[%dma_start3A_446, %dma_start3A_447] : memref<384x64xf32, #tpu.memory_space<vmem>> -> memref<16x64xf32, #tpu.memory_space<vmem>>
        %dma_start3A_449 = arith.constant 0 : i32
        %dma_start3A_450 = arith.constant 0 : i32
        %dma_start3A_451 = tpu.memref_slice %arg2[%dma_start3A_449, %dma_start3A_450] : memref<1000000x64xf32, #tpu.memory_space<hbm>> -> memref<1000000x64xf32, #tpu.memory_space<hbm>>
        tpu.enqueue_indirect_dma source(%dma_start3A_451 : memref<1000000x64xf32, #tpu.memory_space<hbm>>) target(%dma_start3A_448 : memref<16x64xf32, #tpu.memory_space<vmem>>) offsets(%get3A_445 : vector<16xi32>) semaphore(%arg16 : memref<!tpu.dma_semaphore, #tpu.memory_space<semaphore_mem>>)
        %mul3A_452 = arith.constant 128 : i32
        %mul3A_453 = arith.muli %add3A_425, %mul3A_452 : i32
        %add3A_454 = arith.constant 32 : i32
        %add3A_455 = arith.addi %mul3A_453, %add3A_454 : i32
        %get3A_456 = arith.index_cast %add3A_455 : i32 to index
        %get3A_457 = tpu.vector_load %arg8[%get3A_456] {strides = array<i32>} : memref<4608xi32, #tpu.memory_space<vmem>>, vector<16xi32>,
        %get3A_458 = vector.shape_cast %get3A_457 : vector<16xi32> to vector<16xi32>
        %dma_start3A_459 = arith.constant 32 : i32
        %dma_start3A_460 = arith.constant 0 : i32
        %dma_start3A_461 = tpu.memref_slice %arg10[%dma_start3A_459, %dma_start3A_460] : memref<384x64xf32, #tpu.memory_space<vmem>> -> memref<16x64xf32, #tpu.memory_space<vmem>>
        %dma_start3A_462 = arith.constant 0 : i32
        %dma_start3A_463 = arith.constant 0 : i32
        %dma_start3A_464 = tpu.memref_slice %arg2[%dma_start3A_462, %dma_start3A_463] : memref<1000000x64xf32, #tpu.memory_space<hbm>> -> memref<1000000x64xf32, #tpu.memory_space<hbm>>
        tpu.enqueue_indirect_dma source(%dma_start3A_464 : memref<1000000x64xf32, #tpu.memory_space<hbm>>) target(%dma_start3A_461 : memref<16x64xf32, #tpu.memory_space<vmem>>) offsets(%get3A_458 : vector<16xi32>) semaphore(%arg16 : memref<!tpu.dma_semaphore, #tpu.memory_space<semaphore_mem>>)
        %mul3A_465 = arith.constant 128 : i32
        %mul3A_466 = arith.muli %add3A_425, %mul3A_465 : i32
        %add3A_467 = arith.constant 48 : i32
        %add3A_468 = arith.addi %mul3A_466, %add3A_467 : i32
        %get3A_469 = arith.index_cast %add3A_468 : i32 to index
        %get3A_470 = tpu.vector_load %arg8[%get3A_469] {strides = array<i32>} : memref<4608xi32, #tpu.memory_space<vmem>>, vector<16xi32>,
        %get3A_471 = vector.shape_cast %get3A_470 : vector<16xi32> to vector<16xi32>
        %dma_start3A_472 = arith.constant 48 : i32
        %dma_start3A_473 = arith.constant 0 : i32
        %dma_start3A_474 = tpu.memref_slice %arg10[%dma_start3A_472, %dma_start3A_473] : memref<384x64xf32, #tpu.memory_space<vmem>> -> memref<16x64xf32, #tpu.memory_space<vmem>>
        %dma_start3A_475 = arith.constant 0 : i32
        %dma_start3A_476 = arith.constant 0 : i32
        %dma_start3A_477 = tpu.memref_slice %arg2[%dma_start3A_475, %dma_start3A_476] : memref<1000000x64xf32, #tpu.memory_space<hbm>> -> memref<1000000x64xf32, #tpu.memory_space<hbm>>
        tpu.enqueue_indirect_dma source(%dma_start3A_477 : memref<1000000x64xf32, #tpu.memory_space<hbm>>) target(%dma_start3A_474 : memref<16x64xf32, #tpu.memory_space<vmem>>) offsets(%get3A_471 : vector<16xi32>) semaphore(%arg16 : memref<!tpu.dma_semaphore, #tpu.memory_space<semaphore_mem>>)
        %mul3A_478 = arith.constant 128 : i32
        %mul3A_479 = arith.muli %add3A_425, %mul3A_478 : i32
        %add3A_480 = arith.constant 64 : i32
        %add3A_481 = arith.addi %mul3A_479, %add3A_480 : i32
        %get3A_482 = arith.index_cast %add3A_481 : i32 to index
        %get3A_483 = tpu.vector_load %arg8[%get3A_482] {strides = array<i32>} : memref<4608xi32, #tpu.memory_space<vmem>>, vector<16xi32>,
        %get3A_484 = vector.shape_cast %get3A_483 : vector<16xi32> to vector<16xi32>
        %dma_start3A_485 = arith.constant 64 : i32
        %dma_start3A_486 = arith.constant 0 : i32
        %dma_start3A_487 = tpu.memref_slice %arg10[%dma_start3A_485, %dma_start3A_486] : memref<384x64xf32, #tpu.memory_space<vmem>> -> memref<16x64xf32, #tpu.memory_space<vmem>>
        %dma_start3A_488 = arith.constant 0 : i32
        %dma_start3A_489 = arith.constant 0 : i32
        %dma_start3A_490 = tpu.memref_slice %arg2[%dma_start3A_488, %dma_start3A_489] : memref<1000000x64xf32, #tpu.memory_space<hbm>> -> memref<1000000x64xf32, #tpu.memory_space<hbm>>
        tpu.enqueue_indirect_dma source(%dma_start3A_490 : memref<1000000x64xf32, #tpu.memory_space<hbm>>) target(%dma_start3A_487 : memref<16x64xf32, #tpu.memory_space<vmem>>) offsets(%get3A_484 : vector<16xi32>) semaphore(%arg16 : memref<!tpu.dma_semaphore, #tpu.memory_space<semaphore_mem>>)
        %mul3A_491 = arith.constant 128 : i32
        %mul3A_492 = arith.muli %add3A_425, %mul3A_491 : i32
        %add3A_493 = arith.constant 80 : i32
        %add3A_494 = arith.addi %mul3A_492, %add3A_493 : i32
        %get3A_495 = arith.index_cast %add3A_494 : i32 to index
        %get3A_496 = tpu.vector_load %arg8[%get3A_495] {strides = array<i32>} : memref<4608xi32, #tpu.memory_space<vmem>>, vector<16xi32>,
        %get3A_497 = vector.shape_cast %get3A_496 : vector<16xi32> to vector<16xi32>
        %dma_start3A_498 = arith.constant 80 : i32
        %dma_start3A_499 = arith.constant 0 : i32
        %dma_start3A_500 = tpu.memref_slice %arg10[%dma_start3A_498, %dma_start3A_499] : memref<384x64xf32, #tpu.memory_space<vmem>> -> memref<16x64xf32, #tpu.memory_space<vmem>>
        %dma_start3A_501 = arith.constant 0 : i32
        %dma_start3A_502 = arith.constant 0 : i32
        %dma_start3A_503 = tpu.memref_slice %arg2[%dma_start3A_501, %dma_start3A_502] : memref<1000000x64xf32, #tpu.memory_space<hbm>> -> memref<1000000x64xf32, #tpu.memory_space<hbm>>
        tpu.enqueue_indirect_dma source(%dma_start3A_503 : memref<1000000x64xf32, #tpu.memory_space<hbm>>) target(%dma_start3A_500 : memref<16x64xf32, #tpu.memory_space<vmem>>) offsets(%get3A_497 : vector<16xi32>) semaphore(%arg16 : memref<!tpu.dma_semaphore, #tpu.memory_space<semaphore_mem>>)
        %mul3A_504 = arith.constant 128 : i32
        %mul3A_505 = arith.muli %add3A_425, %mul3A_504 : i32
        %add3A_506 = arith.constant 96 : i32
        %add3A_507 = arith.addi %mul3A_505, %add3A_506 : i32
        %get3A_508 = arith.index_cast %add3A_507 : i32 to index
        %get3A_509 = tpu.vector_load %arg8[%get3A_508] {strides = array<i32>} : memref<4608xi32, #tpu.memory_space<vmem>>, vector<16xi32>,
        %get3A_510 = vector.shape_cast %get3A_509 : vector<16xi32> to vector<16xi32>
        %dma_start3A_511 = arith.constant 96 : i32
        %dma_start3A_512 = arith.constant 0 : i32
        %dma_start3A_513 = tpu.memref_slice %arg10[%dma_start3A_511, %dma_start3A_512] : memref<384x64xf32, #tpu.memory_space<vmem>> -> memref<16x64xf32, #tpu.memory_space<vmem>>
        %dma_start3A_514 = arith.constant 0 : i32
        %dma_start3A_515 = arith.constant 0 : i32
        %dma_start3A_516 = tpu.memref_slice %arg2[%dma_start3A_514, %dma_start3A_515] : memref<1000000x64xf32, #tpu.memory_space<hbm>> -> memref<1000000x64xf32, #tpu.memory_space<hbm>>
        tpu.enqueue_indirect_dma source(%dma_start3A_516 : memref<1000000x64xf32, #tpu.memory_space<hbm>>) target(%dma_start3A_513 : memref<16x64xf32, #tpu.memory_space<vmem>>) offsets(%get3A_510 : vector<16xi32>) semaphore(%arg16 : memref<!tpu.dma_semaphore, #tpu.memory_space<semaphore_mem>>)
        %mul3A_517 = arith.constant 128 : i32
        %mul3A_518 = arith.muli %add3A_425, %mul3A_517 : i32
        %add3A_519 = arith.constant 112 : i32
        %add3A_520 = arith.addi %mul3A_518, %add3A_519 : i32
        %get3A_521 = arith.index_cast %add3A_520 : i32 to index
        %get3A_522 = tpu.vector_load %arg8[%get3A_521] {strides = array<i32>} : memref<4608xi32, #tpu.memory_space<vmem>>, vector<16xi32>,
        %get3A_523 = vector.shape_cast %get3A_522 : vector<16xi32> to vector<16xi32>
        %dma_start3A_524 = arith.constant 112 : i32
        %dma_start3A_525 = arith.constant 0 : i32
        %dma_start3A_526 = tpu.memref_slice %arg10[%dma_start3A_524, %dma_start3A_525] : memref<384x64xf32, #tpu.memory_space<vmem>> -> memref<16x64xf32, #tpu.memory_space<vmem>>
        %dma_start3A_527 = arith.constant 0 : i32
        %dma_start3A_528 = arith.constant 0 : i32
        %dma_start3A_529 = tpu.memref_slice %arg2[%dma_start3A_527, %dma_start3A_528] : memref<1000000x64xf32, #tpu.memory_space<hbm>> -> memref<1000000x64xf32, #tpu.memory_space<hbm>>
        tpu.enqueue_indirect_dma source(%dma_start3A_529 : memref<1000000x64xf32, #tpu.memory_space<hbm>>) target(%dma_start3A_526 : memref<16x64xf32, #tpu.memory_space<vmem>>) offsets(%get3A_523 : vector<16xi32>) semaphore(%arg16 : memref<!tpu.dma_semaphore, #tpu.memory_space<semaphore_mem>>)
      } else {
      }
      %dma_wait3A_341 = arith.constant 0 : i32
      %dma_wait3A_342 = arith.constant 0 : i32
      %dma_wait3A_343 = tpu.memref_slice %arg11[%dma_wait3A_341, %dma_wait3A_342] : memref<384x64xf32, #tpu.memory_space<vmem>> -> memref<16x64xf32, #tpu.memory_space<vmem>>
      %dma_wait3A_344 = arith.constant 0 : i32
      %dma_wait3A_345 = tpu.memref_slice %arg6[%mul3A_2, %dma_wait3A_344] : memref<147456x64xf32, #tpu.memory_space<hbm>> -> memref<16x64xf32, #tpu.memory_space<hbm>>
      %dma_wait3A_346 = arith.constant 0 : i32
      %dma_wait3A_347 = arith.constant 0 : i32
      %dma_wait3A_348 = tpu.memref_slice %arg11[%dma_wait3A_346, %dma_wait3A_347] : memref<384x64xf32, #tpu.memory_space<vmem>> -> memref<16x64xf32, #tpu.memory_space<vmem>>
      %dma_wait3A_349 = arith.constant 0 : i32
      %dma_wait3A_350 = tpu.memref_slice %arg6[%mul3A_2, %dma_wait3A_349] : memref<147456x64xf32, #tpu.memory_space<hbm>> -> memref<16x64xf32, #tpu.memory_space<hbm>>
      tpu.wait_dma2 semaphore(%arg17 : memref<!tpu.dma_semaphore, #tpu.memory_space<semaphore_mem>>) src(%dma_wait3A_350 : memref<16x64xf32, #tpu.memory_space<hbm>>) dst(%dma_wait3A_348 : memref<16x64xf32, #tpu.memory_space<vmem>>)
      %dma_wait3A_351 = arith.constant 16 : i32
      %dma_wait3A_352 = arith.constant 0 : i32
      %dma_wait3A_353 = tpu.memref_slice %arg11[%dma_wait3A_351, %dma_wait3A_352] : memref<384x64xf32, #tpu.memory_space<vmem>> -> memref<16x64xf32, #tpu.memory_space<vmem>>
      %dma_wait3A_354 = arith.constant 0 : i32
      %dma_wait3A_355 = tpu.memref_slice %arg6[%mul3A_2, %dma_wait3A_354] : memref<147456x64xf32, #tpu.memory_space<hbm>> -> memref<16x64xf32, #tpu.memory_space<hbm>>
      %dma_wait3A_356 = arith.constant 16 : i32
      %dma_wait3A_357 = arith.constant 0 : i32
      %dma_wait3A_358 = tpu.memref_slice %arg11[%dma_wait3A_356, %dma_wait3A_357] : memref<384x64xf32, #tpu.memory_space<vmem>> -> memref<16x64xf32, #tpu.memory_space<vmem>>
      %dma_wait3A_359 = arith.constant 0 : i32
      %dma_wait3A_360 = tpu.memref_slice %arg6[%mul3A_2, %dma_wait3A_359] : memref<147456x64xf32, #tpu.memory_space<hbm>> -> memref<16x64xf32, #tpu.memory_space<hbm>>
      tpu.wait_dma2 semaphore(%arg17 : memref<!tpu.dma_semaphore, #tpu.memory_space<semaphore_mem>>) src(%dma_wait3A_360 : memref<16x64xf32, #tpu.memory_space<hbm>>) dst(%dma_wait3A_358 : memref<16x64xf32, #tpu.memory_space<vmem>>)
      %dma_wait3A_361 = arith.constant 32 : i32
      %dma_wait3A_362 = arith.constant 0 : i32
      %dma_wait3A_363 = tpu.memref_slice %arg11[%dma_wait3A_361, %dma_wait3A_362] : memref<384x64xf32, #tpu.memory_space<vmem>> -> memref<16x64xf32, #tpu.memory_space<vmem>>
      %dma_wait3A_364 = arith.constant 0 : i32
      %dma_wait3A_365 = tpu.memref_slice %arg6[%mul3A_2, %dma_wait3A_364] : memref<147456x64xf32, #tpu.memory_space<hbm>> -> memref<16x64xf32, #tpu.memory_space<hbm>>
      %dma_wait3A_366 = arith.constant 32 : i32
      %dma_wait3A_367 = arith.constant 0 : i32
      %dma_wait3A_368 = tpu.memref_slice %arg11[%dma_wait3A_366, %dma_wait3A_367] : memref<384x64xf32, #tpu.memory_space<vmem>> -> memref<16x64xf32, #tpu.memory_space<vmem>>
      %dma_wait3A_369 = arith.constant 0 : i32
      %dma_wait3A_370 = tpu.memref_slice %arg6[%mul3A_2, %dma_wait3A_369] : memref<147456x64xf32, #tpu.memory_space<hbm>> -> memref<16x64xf32, #tpu.memory_space<hbm>>
      tpu.wait_dma2 semaphore(%arg17 : memref<!tpu.dma_semaphore, #tpu.memory_space<semaphore_mem>>) src(%dma_wait3A_370 : memref<16x64xf32, #tpu.memory_space<hbm>>) dst(%dma_wait3A_368 : memref<16x64xf32, #tpu.memory_space<vmem>>)
      %dma_wait3A_371 = arith.constant 48 : i32
      %dma_wait3A_372 = arith.constant 0 : i32
      %dma_wait3A_373 = tpu.memref_slice %arg11[%dma_wait3A_371, %dma_wait3A_372] : memref<384x64xf32, #tpu.memory_space<vmem>> -> memref<16x64xf32, #tpu.memory_space<vmem>>
      %dma_wait3A_374 = arith.constant 0 : i32
      %dma_wait3A_375 = tpu.memref_slice %arg6[%mul3A_2, %dma_wait3A_374] : memref<147456x64xf32, #tpu.memory_space<hbm>> -> memref<16x64xf32, #tpu.memory_space<hbm>>
      %dma_wait3A_376 = arith.constant 48 : i32
      %dma_wait3A_377 = arith.constant 0 : i32
      %dma_wait3A_378 = tpu.memref_slice %arg11[%dma_wait3A_376, %dma_wait3A_377] : memref<384x64xf32, #tpu.memory_space<vmem>> -> memref<16x64xf32, #tpu.memory_space<vmem>>
      %dma_wait3A_379 = arith.constant 0 : i32
      %dma_wait3A_380 = tpu.memref_slice %arg6[%mul3A_2, %dma_wait3A_379] : memref<147456x64xf32, #tpu.memory_space<hbm>> -> memref<16x64xf32, #tpu.memory_space<hbm>>
      tpu.wait_dma2 semaphore(%arg17 : memref<!tpu.dma_semaphore, #tpu.memory_space<semaphore_mem>>) src(%dma_wait3A_380 : memref<16x64xf32, #tpu.memory_space<hbm>>) dst(%dma_wait3A_378 : memref<16x64xf32, #tpu.memory_space<vmem>>)
      %dma_wait3A_381 = arith.constant 64 : i32
      %dma_wait3A_382 = arith.constant 0 : i32
      %dma_wait3A_383 = tpu.memref_slice %arg11[%dma_wait3A_381, %dma_wait3A_382] : memref<384x64xf32, #tpu.memory_space<vmem>> -> memref<16x64xf32, #tpu.memory_space<vmem>>
      %dma_wait3A_384 = arith.constant 0 : i32
      %dma_wait3A_385 = tpu.memref_slice %arg6[%mul3A_2, %dma_wait3A_384] : memref<147456x64xf32, #tpu.memory_space<hbm>> -> memref<16x64xf32, #tpu.memory_space<hbm>>
      %dma_wait3A_386 = arith.constant 64 : i32
      %dma_wait3A_387 = arith.constant 0 : i32
      %dma_wait3A_388 = tpu.memref_slice %arg11[%dma_wait3A_386, %dma_wait3A_387] : memref<384x64xf32, #tpu.memory_space<vmem>> -> memref<16x64xf32, #tpu.memory_space<vmem>>
      %dma_wait3A_389 = arith.constant 0 : i32
      %dma_wait3A_390 = tpu.memref_slice %arg6[%mul3A_2, %dma_wait3A_389] : memref<147456x64xf32, #tpu.memory_space<hbm>> -> memref<16x64xf32, #tpu.memory_space<hbm>>
      tpu.wait_dma2 semaphore(%arg17 : memref<!tpu.dma_semaphore, #tpu.memory_space<semaphore_mem>>) src(%dma_wait3A_390 : memref<16x64xf32, #tpu.memory_space<hbm>>) dst(%dma_wait3A_388 : memref<16x64xf32, #tpu.memory_space<vmem>>)
      %dma_wait3A_391 = arith.constant 80 : i32
      %dma_wait3A_392 = arith.constant 0 : i32
      %dma_wait3A_393 = tpu.memref_slice %arg11[%dma_wait3A_391, %dma_wait3A_392] : memref<384x64xf32, #tpu.memory_space<vmem>> -> memref<16x64xf32, #tpu.memory_space<vmem>>
      %dma_wait3A_394 = arith.constant 0 : i32
      %dma_wait3A_395 = tpu.memref_slice %arg6[%mul3A_2, %dma_wait3A_394] : memref<147456x64xf32, #tpu.memory_space<hbm>> -> memref<16x64xf32, #tpu.memory_space<hbm>>
      %dma_wait3A_396 = arith.constant 80 : i32
      %dma_wait3A_397 = arith.constant 0 : i32
      %dma_wait3A_398 = tpu.memref_slice %arg11[%dma_wait3A_396, %dma_wait3A_397] : memref<384x64xf32, #tpu.memory_space<vmem>> -> memref<16x64xf32, #tpu.memory_space<vmem>>
      %dma_wait3A_399 = arith.constant 0 : i32
      %dma_wait3A_400 = tpu.memref_slice %arg6[%mul3A_2, %dma_wait3A_399] : memref<147456x64xf32, #tpu.memory_space<hbm>> -> memref<16x64xf32, #tpu.memory_space<hbm>>
      tpu.wait_dma2 semaphore(%arg17 : memref<!tpu.dma_semaphore, #tpu.memory_space<semaphore_mem>>) src(%dma_wait3A_400 : memref<16x64xf32, #tpu.memory_space<hbm>>) dst(%dma_wait3A_398 : memref<16x64xf32, #tpu.memory_space<vmem>>)
      %dma_wait3A_401 = arith.constant 96 : i32
      %dma_wait3A_402 = arith.constant 0 : i32
      %dma_wait3A_403 = tpu.memref_slice %arg11[%dma_wait3A_401, %dma_wait3A_402] : memref<384x64xf32, #tpu.memory_space<vmem>> -> memref<16x64xf32, #tpu.memory_space<vmem>>
      %dma_wait3A_404 = arith.constant 0 : i32
      %dma_wait3A_405 = tpu.memref_slice %arg6[%mul3A_2, %dma_wait3A_404] : memref<147456x64xf32, #tpu.memory_space<hbm>> -> memref<16x64xf32, #tpu.memory_space<hbm>>
      %dma_wait3A_406 = arith.constant 96 : i32
      %dma_wait3A_407 = arith.constant 0 : i32
      %dma_wait3A_408 = tpu.memref_slice %arg11[%dma_wait3A_406, %dma_wait3A_407] : memref<384x64xf32, #tpu.memory_space<vmem>> -> memref<16x64xf32, #tpu.memory_space<vmem>>
      %dma_wait3A_409 = arith.constant 0 : i32
      %dma_wait3A_410 = tpu.memref_slice %arg6[%mul3A_2, %dma_wait3A_409] : memref<147456x64xf32, #tpu.memory_space<hbm>> -> memref<16x64xf32, #tpu.memory_space<hbm>>
      tpu.wait_dma2 semaphore(%arg17 : memref<!tpu.dma_semaphore, #tpu.memory_space<semaphore_mem>>) src(%dma_wait3A_410 : memref<16x64xf32, #tpu.memory_space<hbm>>) dst(%dma_wait3A_408 : memref<16x64xf32, #tpu.memory_space<vmem>>)
      %dma_wait3A_411 = arith.constant 112 : i32
      %dma_wait3A_412 = arith.constant 0 : i32
      %dma_wait3A_413 = tpu.memref_slice %arg11[%dma_wait3A_411, %dma_wait3A_412] : memref<384x64xf32, #tpu.memory_space<vmem>> -> memref<16x64xf32, #tpu.memory_space<vmem>>
      %dma_wait3A_414 = arith.constant 0 : i32
      %dma_wait3A_415 = tpu.memref_slice %arg6[%mul3A_2, %dma_wait3A_414] : memref<147456x64xf32, #tpu.memory_space<hbm>> -> memref<16x64xf32, #tpu.memory_space<hbm>>
      %dma_wait3A_416 = arith.constant 112 : i32
      %dma_wait3A_417 = arith.constant 0 : i32
      %dma_wait3A_418 = tpu.memref_slice %arg11[%dma_wait3A_416, %dma_wait3A_417] : memref<384x64xf32, #tpu.memory_space<vmem>> -> memref<16x64xf32, #tpu.memory_space<vmem>>
      %dma_wait3A_419 = arith.constant 0 : i32
      %dma_wait3A_420 = tpu.memref_slice %arg6[%mul3A_2, %dma_wait3A_419] : memref<147456x64xf32, #tpu.memory_space<hbm>> -> memref<16x64xf32, #tpu.memory_space<hbm>>
      tpu.wait_dma2 semaphore(%arg17 : memref<!tpu.dma_semaphore, #tpu.memory_space<semaphore_mem>>) src(%dma_wait3A_420 : memref<16x64xf32, #tpu.memory_space<hbm>>) dst(%dma_wait3A_418 : memref<16x64xf32, #tpu.memory_space<vmem>>)
      %mul3A_421 = arith.constant 384 : i32
      %mul3A_422 = arith.muli %add3A_150, %mul3A_421 : i32
      %add3A_423 = arith.addi %mul3A_2, %mul3A_422 : i32
      "tpu.region"() ({
        %run_scoped3A = tpu.sem_alloc : memref<!tpu.dma_semaphore, #tpu.memory_space<semaphore_mem>>
        %dma_start3A_424 = arith.constant 0 : i32
        %dma_start3A_425 = tpu.memref_slice %arg6[%add3A_423, %dma_start3A_424] : memref<147456x64xf32, #tpu.memory_space<hbm>> -> memref<384x64xf32, #tpu.memory_space<hbm>>
        %dma_start3A_426 = arith.constant 0 : i32
        %dma_start3A_427 = tpu.memref_slice %arg6[%add3A_423, %dma_start3A_426] : memref<147456x64xf32, #tpu.memory_space<hbm>> -> memref<384x64xf32, #tpu.memory_space<hbm>>
        tpu.enqueue_dma source(%arg11 : memref<384x64xf32, #tpu.memory_space<vmem>>) target(%dma_start3A_427 : memref<384x64xf32, #tpu.memory_space<hbm>>) target_semaphore(%run_scoped3A : memref<!tpu.dma_semaphore, #tpu.memory_space<semaphore_mem>>)
        %dma_wait3A_428 = arith.constant 0 : i32
        %dma_wait3A_429 = tpu.memref_slice %arg6[%add3A_423, %dma_wait3A_428] : memref<147456x64xf32, #tpu.memory_space<hbm>> -> memref<384x64xf32, #tpu.memory_space<hbm>>
        %dma_wait3A_430 = arith.constant 0 : i32
        %dma_wait3A_431 = tpu.memref_slice %arg6[%add3A_423, %dma_wait3A_430] : memref<147456x64xf32, #tpu.memory_space<hbm>> -> memref<384x64xf32, #tpu.memory_space<hbm>>
        tpu.wait_dma2 semaphore(%run_scoped3A : memref<!tpu.dma_semaphore, #tpu.memory_space<semaphore_mem>>) src(%arg11 : memref<384x64xf32, #tpu.memory_space<vmem>>) dst(%dma_wait3A_431 : memref<384x64xf32, #tpu.memory_space<hbm>>)
        tpu.yield
      }) : () -> ()
    }
    %scan3A_81 = arith.constant 6 : i32
    %get3A_82 = arith.constant 0 : index
    %get3A_83 = tpu.vector_load %arg9[%get3A_82] {strides = array<i32>} : memref<4096xi32, #tpu.memory_space<vmem>>, vector<16xi32>,
    %get3A_84 = vector.shape_cast %get3A_83 : vector<16xi32> to vector<16xi32>
    %dma_start3A_85 = arith.constant 0 : i32
    %dma_start3A_86 = tpu.memref_slice %arg12[%dma_start3A_85] : memref<1024xf32, #tpu.memory_space<vmem>> -> memref<16xf32, #tpu.memory_space<vmem>>
    %dma_start3A_87 = arith.constant 0 : i32
    %dma_start3A_88 = tpu.memref_slice %arg15[%dma_start3A_87] : memref<524288xf32, #tpu.memory_space<vmem_shared>> -> memref<524288xf32, #tpu.memory_space<vmem_shared>>
    tpu.enqueue_indirect_dma source(%dma_start3A_88 : memref<524288xf32, #tpu.memory_space<vmem_shared>>) target(%dma_start3A_86 : memref<16xf32, #tpu.memory_space<vmem>>) offsets(%get3A_84 : vector<16xi32>) semaphore(%arg16 : memref<!tpu.dma_semaphore, #tpu.memory_space<semaphore_mem>>)
    %get3A_89 = arith.constant 16 : index
    %get3A_90 = tpu.vector_load %arg9[%get3A_89] {strides = array<i32>} : memref<4096xi32, #tpu.memory_space<vmem>>, vector<16xi32>,
    %get3A_91 = vector.shape_cast %get3A_90 : vector<16xi32> to vector<16xi32>
    %dma_start3A_92 = arith.constant 16 : i32
    %dma_start3A_93 = tpu.memref_slice %arg12[%dma_start3A_92] : memref<1024xf32, #tpu.memory_space<vmem>> -> memref<16xf32, #tpu.memory_space<vmem>>
    %dma_start3A_94 = arith.constant 0 : i32
    %dma_start3A_95 = tpu.memref_slice %arg15[%dma_start3A_94] : memref<524288xf32, #tpu.memory_space<vmem_shared>> -> memref<524288xf32, #tpu.memory_space<vmem_shared>>
    tpu.enqueue_indirect_dma source(%dma_start3A_95 : memref<524288xf32, #tpu.memory_space<vmem_shared>>) target(%dma_start3A_93 : memref<16xf32, #tpu.memory_space<vmem>>) offsets(%get3A_91 : vector<16xi32>) semaphore(%arg16 : memref<!tpu.dma_semaphore, #tpu.memory_space<semaphore_mem>>)
    %get3A_96 = arith.constant 32 : index
    %get3A_97 = tpu.vector_load %arg9[%get3A_96] {strides = array<i32>} : memref<4096xi32, #tpu.memory_space<vmem>>, vector<16xi32>,
    %get3A_98 = vector.shape_cast %get3A_97 : vector<16xi32> to vector<16xi32>
    %dma_start3A_99 = arith.constant 32 : i32
    %dma_start3A_100 = tpu.memref_slice %arg12[%dma_start3A_99] : memref<1024xf32, #tpu.memory_space<vmem>> -> memref<16xf32, #tpu.memory_space<vmem>>
    %dma_start3A_101 = arith.constant 0 : i32
    %dma_start3A_102 = tpu.memref_slice %arg15[%dma_start3A_101] : memref<524288xf32, #tpu.memory_space<vmem_shared>> -> memref<524288xf32, #tpu.memory_space<vmem_shared>>
    tpu.enqueue_indirect_dma source(%dma_start3A_102 : memref<524288xf32, #tpu.memory_space<vmem_shared>>) target(%dma_start3A_100 : memref<16xf32, #tpu.memory_space<vmem>>) offsets(%get3A_98 : vector<16xi32>) semaphore(%arg16 : memref<!tpu.dma_semaphore, #tpu.memory_space<semaphore_mem>>)
    %get3A_103 = arith.constant 48 : index
    %get3A_104 = tpu.vector_load %arg9[%get3A_103] {strides = array<i32>} : memref<4096xi32, #tpu.memory_space<vmem>>, vector<16xi32>,
    %get3A_105 = vector.shape_cast %get3A_104 : vector<16xi32> to vector<16xi32>
    %dma_start3A_106 = arith.constant 48 : i32
    %dma_start3A_107 = tpu.memref_slice %arg12[%dma_start3A_106] : memref<1024xf32, #tpu.memory_space<vmem>> -> memref<16xf32, #tpu.memory_space<vmem>>
    %dma_start3A_108 = arith.constant 0 : i32
    %dma_start3A_109 = tpu.memref_slice %arg15[%dma_start3A_108] : memref<524288xf32, #tpu.memory_space<vmem_shared>> -> memref<524288xf32, #tpu.memory_space<vmem_shared>>
    tpu.enqueue_indirect_dma source(%dma_start3A_109 : memref<524288xf32, #tpu.memory_space<vmem_shared>>) target(%dma_start3A_107 : memref<16xf32, #tpu.memory_space<vmem>>) offsets(%get3A_105 : vector<16xi32>) semaphore(%arg16 : memref<!tpu.dma_semaphore, #tpu.memory_space<semaphore_mem>>)
    %get3A_110 = arith.constant 64 : index
    %get3A_111 = tpu.vector_load %arg9[%get3A_110] {strides = array<i32>} : memref<4096xi32, #tpu.memory_space<vmem>>, vector<16xi32>,
    %get3A_112 = vector.shape_cast %get3A_111 : vector<16xi32> to vector<16xi32>
    %dma_start3A_113 = arith.constant 64 : i32
    %dma_start3A_114 = tpu.memref_slice %arg12[%dma_start3A_113] : memref<1024xf32, #tpu.memory_space<vmem>> -> memref<16xf32, #tpu.memory_space<vmem>>
    %dma_start3A_115 = arith.constant 0 : i32
    %dma_start3A_116 = tpu.memref_slice %arg15[%dma_start3A_115] : memref<524288xf32, #tpu.memory_space<vmem_shared>> -> memref<524288xf32, #tpu.memory_space<vmem_shared>>
    tpu.enqueue_indirect_dma source(%dma_start3A_116 : memref<524288xf32, #tpu.memory_space<vmem_shared>>) target(%dma_start3A_114 : memref<16xf32, #tpu.memory_space<vmem>>) offsets(%get3A_112 : vector<16xi32>) semaphore(%arg16 : memref<!tpu.dma_semaphore, #tpu.memory_space<semaphore_mem>>)
    %get3A_117 = arith.constant 80 : index
    %get3A_118 = tpu.vector_load %arg9[%get3A_117] {strides = array<i32>} : memref<4096xi32, #tpu.memory_space<vmem>>, vector<16xi32>,
    %get3A_119 = vector.shape_cast %get3A_118 : vector<16xi32> to vector<16xi32>
    %dma_start3A_120 = arith.constant 80 : i32
    %dma_start3A_121 = tpu.memref_slice %arg12[%dma_start3A_120] : memref<1024xf32, #tpu.memory_space<vmem>> -> memref<16xf32, #tpu.memory_space<vmem>>
    %dma_start3A_122 = arith.constant 0 : i32
    %dma_start3A_123 = tpu.memref_slice %arg15[%dma_start3A_122] : memref<524288xf32, #tpu.memory_space<vmem_shared>> -> memref<524288xf32, #tpu.memory_space<vmem_shared>>
    tpu.enqueue_indirect_dma source(%dma_start3A_123 : memref<524288xf32, #tpu.memory_space<vmem_shared>>) target(%dma_start3A_121 : memref<16xf32, #tpu.memory_space<vmem>>) offsets(%get3A_119 : vector<16xi32>) semaphore(%arg16 : memref<!tpu.dma_semaphore, #tpu.memory_space<semaphore_mem>>)
    %get3A_124 = arith.constant 96 : index
    %get3A_125 = tpu.vector_load %arg9[%get3A_124] {strides = array<i32>} : memref<4096xi32, #tpu.memory_space<vmem>>, vector<16xi32>,
    %get3A_126 = vector.shape_cast %get3A_125 : vector<16xi32> to vector<16xi32>
    %dma_start3A_127 = arith.constant 96 : i32
    %dma_start3A_128 = tpu.memref_slice %arg12[%dma_start3A_127] : memref<1024xf32, #tpu.memory_space<vmem>> -> memref<16xf32, #tpu.memory_space<vmem>>
    %dma_start3A_129 = arith.constant 0 : i32
    %dma_start3A_130 = tpu.memref_slice %arg15[%dma_start3A_129] : memref<524288xf32, #tpu.memory_space<vmem_shared>> -> memref<524288xf32, #tpu.memory_space<vmem_shared>>
    tpu.enqueue_indirect_dma source(%dma_start3A_130 : memref<524288xf32, #tpu.memory_space<vmem_shared>>) target(%dma_start3A_128 : memref<16xf32, #tpu.memory_space<vmem>>) offsets(%get3A_126 : vector<16xi32>) semaphore(%arg16 : memref<!tpu.dma_semaphore, #tpu.memory_space<semaphore_mem>>)
    %get3A_131 = arith.constant 112 : index
    %get3A_132 = tpu.vector_load %arg9[%get3A_131] {strides = array<i32>} : memref<4096xi32, #tpu.memory_space<vmem>>, vector<16xi32>,
    %get3A_133 = vector.shape_cast %get3A_132 : vector<16xi32> to vector<16xi32>
    %dma_start3A_134 = arith.constant 112 : i32
    %dma_start3A_135 = tpu.memref_slice %arg12[%dma_start3A_134] : memref<1024xf32, #tpu.memory_space<vmem>> -> memref<16xf32, #tpu.memory_space<vmem>>
    %dma_start3A_136 = arith.constant 0 : i32
    %dma_start3A_137 = tpu.memref_slice %arg15[%dma_start3A_136] : memref<524288xf32, #tpu.memory_space<vmem_shared>> -> memref<524288xf32, #tpu.memory_space<vmem_shared>>
    tpu.enqueue_indirect_dma source(%dma_start3A_137 : memref<524288xf32, #tpu.memory_space<vmem_shared>>) target(%dma_start3A_135 : memref<16xf32, #tpu.memory_space<vmem>>) offsets(%get3A_133 : vector<16xi32>) semaphore(%arg16 : memref<!tpu.dma_semaphore, #tpu.memory_space<semaphore_mem>>)
    %scan3A_138 = arith.constant 0 : i32
    %scan3A_139 = arith.constant 0 : i32
    %scan3A_140 = arith.constant 2 : i32
    %scan3A_141 = arith.addi %scan3A_139, %scan3A_140 : i32
    %scan3A_142 = arith.constant 1 : i32
    scf.for %scan3A_144 = %scan3A_139 to %scan3A_141 step %scan3A_142  : i32 {
      %mul3A_145 = arith.constant 2 : i32
      %mul3A_146 = arith.muli %mul3A_145, %scan3A_144 : i32
      %mul3A_147 = arith.constant 2 : i32
      %mul3A_148 = arith.muli %mul3A_147, %scan3A_144 : i32
      %add3A_149 = arith.constant 1 : i32
      %add3A_150 = arith.addi %mul3A_148, %add3A_149 : i32
      %mul3A_151 = arith.constant 128 : i32
      %mul3A_152 = arith.muli %add3A_150, %mul3A_151 : i32
      %add3A_153 = arith.constant 0 : i32
      %add3A_154 = arith.addi %mul3A_152, %add3A_153 : i32
      %get3A_155 = arith.index_cast %add3A_154 : i32 to index
      %get3A_156 = tpu.vector_load %arg9[%get3A_155] {strides = array<i32>} : memref<4096xi32, #tpu.memory_space<vmem>>, vector<16xi32>,
      %get3A_157 = vector.shape_cast %get3A_156 : vector<16xi32> to vector<16xi32>
      %dma_start3A_158 = arith.constant 0 : i32
      %dma_start3A_159 = tpu.memref_slice %arg13[%dma_start3A_158] : memref<1024xf32, #tpu.memory_space<vmem>> -> memref<16xf32, #tpu.memory_space<vmem>>
      %dma_start3A_160 = arith.constant 0 : i32
      %dma_start3A_161 = tpu.memref_slice %arg15[%dma_start3A_160] : memref<524288xf32, #tpu.memory_space<vmem_shared>> -> memref<524288xf32, #tpu.memory_space<vmem_shared>>
      tpu.enqueue_indirect_dma source(%dma_start3A_161 : memref<524288xf32, #tpu.memory_space<vmem_shared>>) target(%dma_start3A_159 : memref<16xf32, #tpu.memory_space<vmem>>) offsets(%get3A_157 : vector<16xi32>) semaphore(%arg17 : memref<!tpu.dma_semaphore, #tpu.memory_space<semaphore_mem>>)
      %mul3A_162 = arith.constant 128 : i32
      %mul3A_163 = arith.muli %add3A_150, %mul3A_162 : i32
      %add3A_164 = arith.constant 16 : i32
      %add3A_165 = arith.addi %mul3A_163, %add3A_164 : i32
      %get3A_166 = arith.index_cast %add3A_165 : i32 to index
      %get3A_167 = tpu.vector_load %arg9[%get3A_166] {strides = array<i32>} : memref<4096xi32, #tpu.memory_space<vmem>>, vector<16xi32>,
      %get3A_168 = vector.shape_cast %get3A_167 : vector<16xi32> to vector<16xi32>
      %dma_start3A_169 = arith.constant 16 : i32
      %dma_start3A_170 = tpu.memref_slice %arg13[%dma_start3A_169] : memref<1024xf32, #tpu.memory_space<vmem>> -> memref<16xf32, #tpu.memory_space<vmem>>
      %dma_start3A_171 = arith.constant 0 : i32
      %dma_start3A_172 = tpu.memref_slice %arg15[%dma_start3A_171] : memref<524288xf32, #tpu.memory_space<vmem_shared>> -> memref<524288xf32, #tpu.memory_space<vmem_shared>>
      tpu.enqueue_indirect_dma source(%dma_start3A_172 : memref<524288xf32, #tpu.memory_space<vmem_shared>>) target(%dma_start3A_170 : memref<16xf32, #tpu.memory_space<vmem>>) offsets(%get3A_168 : vector<16xi32>) semaphore(%arg17 : memref<!tpu.dma_semaphore, #tpu.memory_space<semaphore_mem>>)
      %mul3A_173 = arith.constant 128 : i32
      %mul3A_174 = arith.muli %add3A_150, %mul3A_173 : i32
      %add3A_175 = arith.constant 32 : i32
      %add3A_176 = arith.addi %mul3A_174, %add3A_175 : i32
      %get3A_177 = arith.index_cast %add3A_176 : i32 to index
      %get3A_178 = tpu.vector_load %arg9[%get3A_177] {strides = array<i32>} : memref<4096xi32, #tpu.memory_space<vmem>>, vector<16xi32>,
      %get3A_179 = vector.shape_cast %get3A_178 : vector<16xi32> to vector<16xi32>
      %dma_start3A_180 = arith.constant 32 : i32
      %dma_start3A_181 = tpu.memref_slice %arg13[%dma_start3A_180] : memref<1024xf32, #tpu.memory_space<vmem>> -> memref<16xf32, #tpu.memory_space<vmem>>
      %dma_start3A_182 = arith.constant 0 : i32
      %dma_start3A_183 = tpu.memref_slice %arg15[%dma_start3A_182] : memref<524288xf32, #tpu.memory_space<vmem_shared>> -> memref<524288xf32, #tpu.memory_space<vmem_shared>>
      tpu.enqueue_indirect_dma source(%dma_start3A_183 : memref<524288xf32, #tpu.memory_space<vmem_shared>>) target(%dma_start3A_181 : memref<16xf32, #tpu.memory_space<vmem>>) offsets(%get3A_179 : vector<16xi32>) semaphore(%arg17 : memref<!tpu.dma_semaphore, #tpu.memory_space<semaphore_mem>>)
      %mul3A_184 = arith.constant 128 : i32
      %mul3A_185 = arith.muli %add3A_150, %mul3A_184 : i32
      %add3A_186 = arith.constant 48 : i32
      %add3A_187 = arith.addi %mul3A_185, %add3A_186 : i32
      %get3A_188 = arith.index_cast %add3A_187 : i32 to index
      %get3A_189 = tpu.vector_load %arg9[%get3A_188] {strides = array<i32>} : memref<4096xi32, #tpu.memory_space<vmem>>, vector<16xi32>,
      %get3A_190 = vector.shape_cast %get3A_189 : vector<16xi32> to vector<16xi32>
      %dma_start3A_191 = arith.constant 48 : i32
      %dma_start3A_192 = tpu.memref_slice %arg13[%dma_start3A_191] : memref<1024xf32, #tpu.memory_space<vmem>> -> memref<16xf32, #tpu.memory_space<vmem>>
      %dma_start3A_193 = arith.constant 0 : i32
      %dma_start3A_194 = tpu.memref_slice %arg15[%dma_start3A_193] : memref<524288xf32, #tpu.memory_space<vmem_shared>> -> memref<524288xf32, #tpu.memory_space<vmem_shared>>
      tpu.enqueue_indirect_dma source(%dma_start3A_194 : memref<524288xf32, #tpu.memory_space<vmem_shared>>) target(%dma_start3A_192 : memref<16xf32, #tpu.memory_space<vmem>>) offsets(%get3A_190 : vector<16xi32>) semaphore(%arg17 : memref<!tpu.dma_semaphore, #tpu.memory_space<semaphore_mem>>)
      %mul3A_195 = arith.constant 128 : i32
      %mul3A_196 = arith.muli %add3A_150, %mul3A_195 : i32
      %add3A_197 = arith.constant 64 : i32
      %add3A_198 = arith.addi %mul3A_196, %add3A_197 : i32
      %get3A_199 = arith.index_cast %add3A_198 : i32 to index
      %get3A_200 = tpu.vector_load %arg9[%get3A_199] {strides = array<i32>} : memref<4096xi32, #tpu.memory_space<vmem>>, vector<16xi32>,
      %get3A_201 = vector.shape_cast %get3A_200 : vector<16xi32> to vector<16xi32>
      %dma_start3A_202 = arith.constant 64 : i32
      %dma_start3A_203 = tpu.memref_slice %arg13[%dma_start3A_202] : memref<1024xf32, #tpu.memory_space<vmem>> -> memref<16xf32, #tpu.memory_space<vmem>>
      %dma_start3A_204 = arith.constant 0 : i32
      %dma_start3A_205 = tpu.memref_slice %arg15[%dma_start3A_204] : memref<524288xf32, #tpu.memory_space<vmem_shared>> -> memref<524288xf32, #tpu.memory_space<vmem_shared>>
      tpu.enqueue_indirect_dma source(%dma_start3A_205 : memref<524288xf32, #tpu.memory_space<vmem_shared>>) target(%dma_start3A_203 : memref<16xf32, #tpu.memory_space<vmem>>) offsets(%get3A_201 : vector<16xi32>) semaphore(%arg17 : memref<!tpu.dma_semaphore, #tpu.memory_space<semaphore_mem>>)
      %mul3A_206 = arith.constant 128 : i32
      %mul3A_207 = arith.muli %add3A_150, %mul3A_206 : i32
      %add3A_208 = arith.constant 80 : i32
      %add3A_209 = arith.addi %mul3A_207, %add3A_208 : i32
      %get3A_210 = arith.index_cast %add3A_209 : i32 to index
      %get3A_211 = tpu.vector_load %arg9[%get3A_210] {strides = array<i32>} : memref<4096xi32, #tpu.memory_space<vmem>>, vector<16xi32>,
      %get3A_212 = vector.shape_cast %get3A_211 : vector<16xi32> to vector<16xi32>
      %dma_start3A_213 = arith.constant 80 : i32
      %dma_start3A_214 = tpu.memref_slice %arg13[%dma_start3A_213] : memref<1024xf32, #tpu.memory_space<vmem>> -> memref<16xf32, #tpu.memory_space<vmem>>
      %dma_start3A_215 = arith.constant 0 : i32
      %dma_start3A_216 = tpu.memref_slice %arg15[%dma_start3A_215] : memref<524288xf32, #tpu.memory_space<vmem_shared>> -> memref<524288xf32, #tpu.memory_space<vmem_shared>>
      tpu.enqueue_indirect_dma source(%dma_start3A_216 : memref<524288xf32, #tpu.memory_space<vmem_shared>>) target(%dma_start3A_214 : memref<16xf32, #tpu.memory_space<vmem>>) offsets(%get3A_212 : vector<16xi32>) semaphore(%arg17 : memref<!tpu.dma_semaphore, #tpu.memory_space<semaphore_mem>>)
      %mul3A_217 = arith.constant 128 : i32
      %mul3A_218 = arith.muli %add3A_150, %mul3A_217 : i32
      %add3A_219 = arith.constant 96 : i32
      %add3A_220 = arith.addi %mul3A_218, %add3A_219 : i32
      %get3A_221 = arith.index_cast %add3A_220 : i32 to index
      %get3A_222 = tpu.vector_load %arg9[%get3A_221] {strides = array<i32>} : memref<4096xi32, #tpu.memory_space<vmem>>, vector<16xi32>,
      %get3A_223 = vector.shape_cast %get3A_222 : vector<16xi32> to vector<16xi32>
      %dma_start3A_224 = arith.constant 96 : i32
      %dma_start3A_225 = tpu.memref_slice %arg13[%dma_start3A_224] : memref<1024xf32, #tpu.memory_space<vmem>> -> memref<16xf32, #tpu.memory_space<vmem>>
      %dma_start3A_226 = arith.constant 0 : i32
      %dma_start3A_227 = tpu.memref_slice %arg15[%dma_start3A_226] : memref<524288xf32, #tpu.memory_space<vmem_shared>> -> memref<524288xf32, #tpu.memory_space<vmem_shared>>
      tpu.enqueue_indirect_dma source(%dma_start3A_227 : memref<524288xf32, #tpu.memory_space<vmem_shared>>) target(%dma_start3A_225 : memref<16xf32, #tpu.memory_space<vmem>>) offsets(%get3A_223 : vector<16xi32>) semaphore(%arg17 : memref<!tpu.dma_semaphore, #tpu.memory_space<semaphore_mem>>)
      %mul3A_228 = arith.constant 128 : i32
      %mul3A_229 = arith.muli %add3A_150, %mul3A_228 : i32
      %add3A_230 = arith.constant 112 : i32
      %add3A_231 = arith.addi %mul3A_229, %add3A_230 : i32
      %get3A_232 = arith.index_cast %add3A_231 : i32 to index
      %get3A_233 = tpu.vector_load %arg9[%get3A_232] {strides = array<i32>} : memref<4096xi32, #tpu.memory_space<vmem>>, vector<16xi32>,
      %get3A_234 = vector.shape_cast %get3A_233 : vector<16xi32> to vector<16xi32>
      %dma_start3A_235 = arith.constant 112 : i32
      %dma_start3A_236 = tpu.memref_slice %arg13[%dma_start3A_235] : memref<1024xf32, #tpu.memory_space<vmem>> -> memref<16xf32, #tpu.memory_space<vmem>>
      %dma_start3A_237 = arith.constant 0 : i32
      %dma_start3A_238 = tpu.memref_slice %arg15[%dma_start3A_237] : memref<524288xf32, #tpu.memory_space<vmem_shared>> -> memref<524288xf32, #tpu.memory_space<vmem_shared>>
      tpu.enqueue_indirect_dma source(%dma_start3A_238 : memref<524288xf32, #tpu.memory_space<vmem_shared>>) target(%dma_start3A_236 : memref<16xf32, #tpu.memory_space<vmem>>) offsets(%get3A_234 : vector<16xi32>) semaphore(%arg17 : memref<!tpu.dma_semaphore, #tpu.memory_space<semaphore_mem>>)
      %dma_wait3A = arith.constant 0 : i32
      %dma_wait3A_239 = tpu.memref_slice %arg12[%dma_wait3A] : memref<1024xf32, #tpu.memory_space<vmem>> -> memref<16xf32, #tpu.memory_space<vmem>>
      %dma_wait3A_240 = tpu.memref_slice %arg7[%mul3A_4] : memref<131072xf32, #tpu.memory_space<hbm>> -> memref<16xf32, #tpu.memory_space<hbm>>
      %dma_wait3A_241 = arith.constant 0 : i32
      %dma_wait3A_242 = tpu.memref_slice %arg12[%dma_wait3A_241] : memref<1024xf32, #tpu.memory_space<vmem>> -> memref<16xf32, #tpu.memory_space<vmem>>
      %dma_wait3A_243 = tpu.memref_slice %arg7[%mul3A_4] : memref<131072xf32, #tpu.memory_space<hbm>> -> memref<16xf32, #tpu.memory_space<hbm>>
      tpu.wait_dma2 semaphore(%arg16 : memref<!tpu.dma_semaphore, #tpu.memory_space<semaphore_mem>>) src(%dma_wait3A_243 : memref<16xf32, #tpu.memory_space<hbm>>) dst(%dma_wait3A_242 : memref<16xf32, #tpu.memory_space<vmem>>)
      %dma_wait3A_244 = arith.constant 16 : i32
      %dma_wait3A_245 = tpu.memref_slice %arg12[%dma_wait3A_244] : memref<1024xf32, #tpu.memory_space<vmem>> -> memref<16xf32, #tpu.memory_space<vmem>>
      %dma_wait3A_246 = tpu.memref_slice %arg7[%mul3A_4] : memref<131072xf32, #tpu.memory_space<hbm>> -> memref<16xf32, #tpu.memory_space<hbm>>
      %dma_wait3A_247 = arith.constant 16 : i32
      %dma_wait3A_248 = tpu.memref_slice %arg12[%dma_wait3A_247] : memref<1024xf32, #tpu.memory_space<vmem>> -> memref<16xf32, #tpu.memory_space<vmem>>
      %dma_wait3A_249 = tpu.memref_slice %arg7[%mul3A_4] : memref<131072xf32, #tpu.memory_space<hbm>> -> memref<16xf32, #tpu.memory_space<hbm>>
      tpu.wait_dma2 semaphore(%arg16 : memref<!tpu.dma_semaphore, #tpu.memory_space<semaphore_mem>>) src(%dma_wait3A_249 : memref<16xf32, #tpu.memory_space<hbm>>) dst(%dma_wait3A_248 : memref<16xf32, #tpu.memory_space<vmem>>)
      %dma_wait3A_250 = arith.constant 32 : i32
      %dma_wait3A_251 = tpu.memref_slice %arg12[%dma_wait3A_250] : memref<1024xf32, #tpu.memory_space<vmem>> -> memref<16xf32, #tpu.memory_space<vmem>>
      %dma_wait3A_252 = tpu.memref_slice %arg7[%mul3A_4] : memref<131072xf32, #tpu.memory_space<hbm>> -> memref<16xf32, #tpu.memory_space<hbm>>
      %dma_wait3A_253 = arith.constant 32 : i32
      %dma_wait3A_254 = tpu.memref_slice %arg12[%dma_wait3A_253] : memref<1024xf32, #tpu.memory_space<vmem>> -> memref<16xf32, #tpu.memory_space<vmem>>
      %dma_wait3A_255 = tpu.memref_slice %arg7[%mul3A_4] : memref<131072xf32, #tpu.memory_space<hbm>> -> memref<16xf32, #tpu.memory_space<hbm>>
      tpu.wait_dma2 semaphore(%arg16 : memref<!tpu.dma_semaphore, #tpu.memory_space<semaphore_mem>>) src(%dma_wait3A_255 : memref<16xf32, #tpu.memory_space<hbm>>) dst(%dma_wait3A_254 : memref<16xf32, #tpu.memory_space<vmem>>)
      %dma_wait3A_256 = arith.constant 48 : i32
      %dma_wait3A_257 = tpu.memref_slice %arg12[%dma_wait3A_256] : memref<1024xf32, #tpu.memory_space<vmem>> -> memref<16xf32, #tpu.memory_space<vmem>>
      %dma_wait3A_258 = tpu.memref_slice %arg7[%mul3A_4] : memref<131072xf32, #tpu.memory_space<hbm>> -> memref<16xf32, #tpu.memory_space<hbm>>
      %dma_wait3A_259 = arith.constant 48 : i32
      %dma_wait3A_260 = tpu.memref_slice %arg12[%dma_wait3A_259] : memref<1024xf32, #tpu.memory_space<vmem>> -> memref<16xf32, #tpu.memory_space<vmem>>
      %dma_wait3A_261 = tpu.memref_slice %arg7[%mul3A_4] : memref<131072xf32, #tpu.memory_space<hbm>> -> memref<16xf32, #tpu.memory_space<hbm>>
      tpu.wait_dma2 semaphore(%arg16 : memref<!tpu.dma_semaphore, #tpu.memory_space<semaphore_mem>>) src(%dma_wait3A_261 : memref<16xf32, #tpu.memory_space<hbm>>) dst(%dma_wait3A_260 : memref<16xf32, #tpu.memory_space<vmem>>)
      %dma_wait3A_262 = arith.constant 64 : i32
      %dma_wait3A_263 = tpu.memref_slice %arg12[%dma_wait3A_262] : memref<1024xf32, #tpu.memory_space<vmem>> -> memref<16xf32, #tpu.memory_space<vmem>>
      %dma_wait3A_264 = tpu.memref_slice %arg7[%mul3A_4] : memref<131072xf32, #tpu.memory_space<hbm>> -> memref<16xf32, #tpu.memory_space<hbm>>
      %dma_wait3A_265 = arith.constant 64 : i32
      %dma_wait3A_266 = tpu.memref_slice %arg12[%dma_wait3A_265] : memref<1024xf32, #tpu.memory_space<vmem>> -> memref<16xf32, #tpu.memory_space<vmem>>
      %dma_wait3A_267 = tpu.memref_slice %arg7[%mul3A_4] : memref<131072xf32, #tpu.memory_space<hbm>> -> memref<16xf32, #tpu.memory_space<hbm>>
      tpu.wait_dma2 semaphore(%arg16 : memref<!tpu.dma_semaphore, #tpu.memory_space<semaphore_mem>>) src(%dma_wait3A_267 : memref<16xf32, #tpu.memory_space<hbm>>) dst(%dma_wait3A_266 : memref<16xf32, #tpu.memory_space<vmem>>)
      %dma_wait3A_268 = arith.constant 80 : i32
      %dma_wait3A_269 = tpu.memref_slice %arg12[%dma_wait3A_268] : memref<1024xf32, #tpu.memory_space<vmem>> -> memref<16xf32, #tpu.memory_space<vmem>>
      %dma_wait3A_270 = tpu.memref_slice %arg7[%mul3A_4] : memref<131072xf32, #tpu.memory_space<hbm>> -> memref<16xf32, #tpu.memory_space<hbm>>
      %dma_wait3A_271 = arith.constant 80 : i32
      %dma_wait3A_272 = tpu.memref_slice %arg12[%dma_wait3A_271] : memref<1024xf32, #tpu.memory_space<vmem>> -> memref<16xf32, #tpu.memory_space<vmem>>
      %dma_wait3A_273 = tpu.memref_slice %arg7[%mul3A_4] : memref<131072xf32, #tpu.memory_space<hbm>> -> memref<16xf32, #tpu.memory_space<hbm>>
      tpu.wait_dma2 semaphore(%arg16 : memref<!tpu.dma_semaphore, #tpu.memory_space<semaphore_mem>>) src(%dma_wait3A_273 : memref<16xf32, #tpu.memory_space<hbm>>) dst(%dma_wait3A_272 : memref<16xf32, #tpu.memory_space<vmem>>)
      %dma_wait3A_274 = arith.constant 96 : i32
      %dma_wait3A_275 = tpu.memref_slice %arg12[%dma_wait3A_274] : memref<1024xf32, #tpu.memory_space<vmem>> -> memref<16xf32, #tpu.memory_space<vmem>>
      %dma_wait3A_276 = tpu.memref_slice %arg7[%mul3A_4] : memref<131072xf32, #tpu.memory_space<hbm>> -> memref<16xf32, #tpu.memory_space<hbm>>
      %dma_wait3A_277 = arith.constant 96 : i32
      %dma_wait3A_278 = tpu.memref_slice %arg12[%dma_wait3A_277] : memref<1024xf32, #tpu.memory_space<vmem>> -> memref<16xf32, #tpu.memory_space<vmem>>
      %dma_wait3A_279 = tpu.memref_slice %arg7[%mul3A_4] : memref<131072xf32, #tpu.memory_space<hbm>> -> memref<16xf32, #tpu.memory_space<hbm>>
      tpu.wait_dma2 semaphore(%arg16 : memref<!tpu.dma_semaphore, #tpu.memory_space<semaphore_mem>>) src(%dma_wait3A_279 : memref<16xf32, #tpu.memory_space<hbm>>) dst(%dma_wait3A_278 : memref<16xf32, #tpu.memory_space<vmem>>)
      %dma_wait3A_280 = arith.constant 112 : i32
      %dma_wait3A_281 = tpu.memref_slice %arg12[%dma_wait3A_280] : memref<1024xf32, #tpu.memory_space<vmem>> -> memref<16xf32, #tpu.memory_space<vmem>>
      %dma_wait3A_282 = tpu.memref_slice %arg7[%mul3A_4] : memref<131072xf32, #tpu.memory_space<hbm>> -> memref<16xf32, #tpu.memory_space<hbm>>
      %dma_wait3A_283 = arith.constant 112 : i32
      %dma_wait3A_284 = tpu.memref_slice %arg12[%dma_wait3A_283] : memref<1024xf32, #tpu.memory_space<vmem>> -> memref<16xf32, #tpu.memory_space<vmem>>
      %dma_wait3A_285 = tpu.memref_slice %arg7[%mul3A_4] : memref<131072xf32, #tpu.memory_space<hbm>> -> memref<16xf32, #tpu.memory_space<hbm>>
      tpu.wait_dma2 semaphore(%arg16 : memref<!tpu.dma_semaphore, #tpu.memory_space<semaphore_mem>>) src(%dma_wait3A_285 : memref<16xf32, #tpu.memory_space<hbm>>) dst(%dma_wait3A_284 : memref<16xf32, #tpu.memory_space<vmem>>)
      %mul3A_286 = arith.constant 1024 : i32
      %mul3A_287 = arith.muli %mul3A_146, %mul3A_286 : i32
      %add3A_288 = arith.addi %mul3A_4, %mul3A_287 : i32
      "tpu.region"() ({
        %run_scoped3A = tpu.sem_alloc : memref<!tpu.dma_semaphore, #tpu.memory_space<semaphore_mem>>
        %dma_start3A_344 = tpu.memref_slice %arg7[%add3A_288] : memref<131072xf32, #tpu.memory_space<hbm>> -> memref<1024xf32, #tpu.memory_space<hbm>>
        %dma_start3A_345 = tpu.memref_slice %arg7[%add3A_288] : memref<131072xf32, #tpu.memory_space<hbm>> -> memref<1024xf32, #tpu.memory_space<hbm>>
        tpu.enqueue_dma source(%arg12 : memref<1024xf32, #tpu.memory_space<vmem>>) target(%dma_start3A_345 : memref<1024xf32, #tpu.memory_space<hbm>>) target_semaphore(%run_scoped3A : memref<!tpu.dma_semaphore, #tpu.memory_space<semaphore_mem>>)
        %dma_wait3A_346 = tpu.memref_slice %arg7[%add3A_288] : memref<131072xf32, #tpu.memory_space<hbm>> -> memref<1024xf32, #tpu.memory_space<hbm>>
        %dma_wait3A_347 = tpu.memref_slice %arg7[%add3A_288] : memref<131072xf32, #tpu.memory_space<hbm>> -> memref<1024xf32, #tpu.memory_space<hbm>>
        tpu.wait_dma2 semaphore(%run_scoped3A : memref<!tpu.dma_semaphore, #tpu.memory_space<semaphore_mem>>) src(%arg12 : memref<1024xf32, #tpu.memory_space<vmem>>) dst(%dma_wait3A_347 : memref<1024xf32, #tpu.memory_space<hbm>>)
        tpu.yield
      }) : () -> ()
      %add3A_289 = arith.constant 1 : i32
      %add3A_290 = arith.addi %add3A_150, %add3A_289 : i32
      %lt3A = arith.constant 4 : i32
      %lt3A_291 = arith.cmpi slt, %add3A_290, %lt3A : i32
      %convert_element_type3A = arith.extui %lt3A_291 : i1 to i32
      %cond3A = arith.constant 0 : i32
      %cond3A_292 = arith.cmpi ne, %convert_element_type3A, %cond3A : i32
      scf.if %cond3A_292 {
        %add3A_344 = arith.constant 1 : i32
        %add3A_345 = arith.addi %add3A_150, %add3A_344 : i32
        %mul3A_346 = arith.constant 128 : i32
        %mul3A_347 = arith.muli %add3A_345, %mul3A_346 : i32
        %add3A_348 = arith.constant 0 : i32
        %add3A_349 = arith.addi %mul3A_347, %add3A_348 : i32
        %get3A_350 = arith.index_cast %add3A_349 : i32 to index
        %get3A_351 = tpu.vector_load %arg9[%get3A_350] {strides = array<i32>} : memref<4096xi32, #tpu.memory_space<vmem>>, vector<16xi32>,
        %get3A_352 = vector.shape_cast %get3A_351 : vector<16xi32> to vector<16xi32>
        %dma_start3A_353 = arith.constant 0 : i32
        %dma_start3A_354 = tpu.memref_slice %arg12[%dma_start3A_353] : memref<1024xf32, #tpu.memory_space<vmem>> -> memref<16xf32, #tpu.memory_space<vmem>>
        %dma_start3A_355 = arith.constant 0 : i32
        %dma_start3A_356 = tpu.memref_slice %arg15[%dma_start3A_355] : memref<524288xf32, #tpu.memory_space<vmem_shared>> -> memref<524288xf32, #tpu.memory_space<vmem_shared>>
        tpu.enqueue_indirect_dma source(%dma_start3A_356 : memref<524288xf32, #tpu.memory_space<vmem_shared>>) target(%dma_start3A_354 : memref<16xf32, #tpu.memory_space<vmem>>) offsets(%get3A_352 : vector<16xi32>) semaphore(%arg16 : memref<!tpu.dma_semaphore, #tpu.memory_space<semaphore_mem>>)
        %mul3A_357 = arith.constant 128 : i32
        %mul3A_358 = arith.muli %add3A_345, %mul3A_357 : i32
        %add3A_359 = arith.constant 16 : i32
        %add3A_360 = arith.addi %mul3A_358, %add3A_359 : i32
        %get3A_361 = arith.index_cast %add3A_360 : i32 to index
        %get3A_362 = tpu.vector_load %arg9[%get3A_361] {strides = array<i32>} : memref<4096xi32, #tpu.memory_space<vmem>>, vector<16xi32>,
        %get3A_363 = vector.shape_cast %get3A_362 : vector<16xi32> to vector<16xi32>
        %dma_start3A_364 = arith.constant 16 : i32
        %dma_start3A_365 = tpu.memref_slice %arg12[%dma_start3A_364] : memref<1024xf32, #tpu.memory_space<vmem>> -> memref<16xf32, #tpu.memory_space<vmem>>
        %dma_start3A_366 = arith.constant 0 : i32
        %dma_start3A_367 = tpu.memref_slice %arg15[%dma_start3A_366] : memref<524288xf32, #tpu.memory_space<vmem_shared>> -> memref<524288xf32, #tpu.memory_space<vmem_shared>>
        tpu.enqueue_indirect_dma source(%dma_start3A_367 : memref<524288xf32, #tpu.memory_space<vmem_shared>>) target(%dma_start3A_365 : memref<16xf32, #tpu.memory_space<vmem>>) offsets(%get3A_363 : vector<16xi32>) semaphore(%arg16 : memref<!tpu.dma_semaphore, #tpu.memory_space<semaphore_mem>>)
        %mul3A_368 = arith.constant 128 : i32
        %mul3A_369 = arith.muli %add3A_345, %mul3A_368 : i32
        %add3A_370 = arith.constant 32 : i32
        %add3A_371 = arith.addi %mul3A_369, %add3A_370 : i32
        %get3A_372 = arith.index_cast %add3A_371 : i32 to index
        %get3A_373 = tpu.vector_load %arg9[%get3A_372] {strides = array<i32>} : memref<4096xi32, #tpu.memory_space<vmem>>, vector<16xi32>,
        %get3A_374 = vector.shape_cast %get3A_373 : vector<16xi32> to vector<16xi32>
        %dma_start3A_375 = arith.constant 32 : i32
        %dma_start3A_376 = tpu.memref_slice %arg12[%dma_start3A_375] : memref<1024xf32, #tpu.memory_space<vmem>> -> memref<16xf32, #tpu.memory_space<vmem>>
        %dma_start3A_377 = arith.constant 0 : i32
        %dma_start3A_378 = tpu.memref_slice %arg15[%dma_start3A_377] : memref<524288xf32, #tpu.memory_space<vmem_shared>> -> memref<524288xf32, #tpu.memory_space<vmem_shared>>
        tpu.enqueue_indirect_dma source(%dma_start3A_378 : memref<524288xf32, #tpu.memory_space<vmem_shared>>) target(%dma_start3A_376 : memref<16xf32, #tpu.memory_space<vmem>>) offsets(%get3A_374 : vector<16xi32>) semaphore(%arg16 : memref<!tpu.dma_semaphore, #tpu.memory_space<semaphore_mem>>)
        %mul3A_379 = arith.constant 128 : i32
        %mul3A_380 = arith.muli %add3A_345, %mul3A_379 : i32
        %add3A_381 = arith.constant 48 : i32
        %add3A_382 = arith.addi %mul3A_380, %add3A_381 : i32
        %get3A_383 = arith.index_cast %add3A_382 : i32 to index
        %get3A_384 = tpu.vector_load %arg9[%get3A_383] {strides = array<i32>} : memref<4096xi32, #tpu.memory_space<vmem>>, vector<16xi32>,
        %get3A_385 = vector.shape_cast %get3A_384 : vector<16xi32> to vector<16xi32>
        %dma_start3A_386 = arith.constant 48 : i32
        %dma_start3A_387 = tpu.memref_slice %arg12[%dma_start3A_386] : memref<1024xf32, #tpu.memory_space<vmem>> -> memref<16xf32, #tpu.memory_space<vmem>>
        %dma_start3A_388 = arith.constant 0 : i32
        %dma_start3A_389 = tpu.memref_slice %arg15[%dma_start3A_388] : memref<524288xf32, #tpu.memory_space<vmem_shared>> -> memref<524288xf32, #tpu.memory_space<vmem_shared>>
        tpu.enqueue_indirect_dma source(%dma_start3A_389 : memref<524288xf32, #tpu.memory_space<vmem_shared>>) target(%dma_start3A_387 : memref<16xf32, #tpu.memory_space<vmem>>) offsets(%get3A_385 : vector<16xi32>) semaphore(%arg16 : memref<!tpu.dma_semaphore, #tpu.memory_space<semaphore_mem>>)
        %mul3A_390 = arith.constant 128 : i32
        %mul3A_391 = arith.muli %add3A_345, %mul3A_390 : i32
        %add3A_392 = arith.constant 64 : i32
        %add3A_393 = arith.addi %mul3A_391, %add3A_392 : i32
        %get3A_394 = arith.index_cast %add3A_393 : i32 to index
        %get3A_395 = tpu.vector_load %arg9[%get3A_394] {strides = array<i32>} : memref<4096xi32, #tpu.memory_space<vmem>>, vector<16xi32>,
        %get3A_396 = vector.shape_cast %get3A_395 : vector<16xi32> to vector<16xi32>
        %dma_start3A_397 = arith.constant 64 : i32
        %dma_start3A_398 = tpu.memref_slice %arg12[%dma_start3A_397] : memref<1024xf32, #tpu.memory_space<vmem>> -> memref<16xf32, #tpu.memory_space<vmem>>
        %dma_start3A_399 = arith.constant 0 : i32
        %dma_start3A_400 = tpu.memref_slice %arg15[%dma_start3A_399] : memref<524288xf32, #tpu.memory_space<vmem_shared>> -> memref<524288xf32, #tpu.memory_space<vmem_shared>>
        tpu.enqueue_indirect_dma source(%dma_start3A_400 : memref<524288xf32, #tpu.memory_space<vmem_shared>>) target(%dma_start3A_398 : memref<16xf32, #tpu.memory_space<vmem>>) offsets(%get3A_396 : vector<16xi32>) semaphore(%arg16 : memref<!tpu.dma_semaphore, #tpu.memory_space<semaphore_mem>>)
        %mul3A_401 = arith.constant 128 : i32
        %mul3A_402 = arith.muli %add3A_345, %mul3A_401 : i32
        %add3A_403 = arith.constant 80 : i32
        %add3A_404 = arith.addi %mul3A_402, %add3A_403 : i32
        %get3A_405 = arith.index_cast %add3A_404 : i32 to index
        %get3A_406 = tpu.vector_load %arg9[%get3A_405] {strides = array<i32>} : memref<4096xi32, #tpu.memory_space<vmem>>, vector<16xi32>,
        %get3A_407 = vector.shape_cast %get3A_406 : vector<16xi32> to vector<16xi32>
        %dma_start3A_408 = arith.constant 80 : i32
        %dma_start3A_409 = tpu.memref_slice %arg12[%dma_start3A_408] : memref<1024xf32, #tpu.memory_space<vmem>> -> memref<16xf32, #tpu.memory_space<vmem>>
        %dma_start3A_410 = arith.constant 0 : i32
        %dma_start3A_411 = tpu.memref_slice %arg15[%dma_start3A_410] : memref<524288xf32, #tpu.memory_space<vmem_shared>> -> memref<524288xf32, #tpu.memory_space<vmem_shared>>
        tpu.enqueue_indirect_dma source(%dma_start3A_411 : memref<524288xf32, #tpu.memory_space<vmem_shared>>) target(%dma_start3A_409 : memref<16xf32, #tpu.memory_space<vmem>>) offsets(%get3A_407 : vector<16xi32>) semaphore(%arg16 : memref<!tpu.dma_semaphore, #tpu.memory_space<semaphore_mem>>)
        %mul3A_412 = arith.constant 128 : i32
        %mul3A_413 = arith.muli %add3A_345, %mul3A_412 : i32
        %add3A_414 = arith.constant 96 : i32
        %add3A_415 = arith.addi %mul3A_413, %add3A_414 : i32
        %get3A_416 = arith.index_cast %add3A_415 : i32 to index
        %get3A_417 = tpu.vector_load %arg9[%get3A_416] {strides = array<i32>} : memref<4096xi32, #tpu.memory_space<vmem>>, vector<16xi32>,
        %get3A_418 = vector.shape_cast %get3A_417 : vector<16xi32> to vector<16xi32>
        %dma_start3A_419 = arith.constant 96 : i32
        %dma_start3A_420 = tpu.memref_slice %arg12[%dma_start3A_419] : memref<1024xf32, #tpu.memory_space<vmem>> -> memref<16xf32, #tpu.memory_space<vmem>>
        %dma_start3A_421 = arith.constant 0 : i32
        %dma_start3A_422 = tpu.memref_slice %arg15[%dma_start3A_421] : memref<524288xf32, #tpu.memory_space<vmem_shared>> -> memref<524288xf32, #tpu.memory_space<vmem_shared>>
        tpu.enqueue_indirect_dma source(%dma_start3A_422 : memref<524288xf32, #tpu.memory_space<vmem_shared>>) target(%dma_start3A_420 : memref<16xf32, #tpu.memory_space<vmem>>) offsets(%get3A_418 : vector<16xi32>) semaphore(%arg16 : memref<!tpu.dma_semaphore, #tpu.memory_space<semaphore_mem>>)
        %mul3A_423 = arith.constant 128 : i32
        %mul3A_424 = arith.muli %add3A_345, %mul3A_423 : i32
        %add3A_425 = arith.constant 112 : i32
        %add3A_426 = arith.addi %mul3A_424, %add3A_425 : i32
        %get3A_427 = arith.index_cast %add3A_426 : i32 to index
        %get3A_428 = tpu.vector_load %arg9[%get3A_427] {strides = array<i32>} : memref<4096xi32, #tpu.memory_space<vmem>>, vector<16xi32>,
        %get3A_429 = vector.shape_cast %get3A_428 : vector<16xi32> to vector<16xi32>
        %dma_start3A_430 = arith.constant 112 : i32
        %dma_start3A_431 = tpu.memref_slice %arg12[%dma_start3A_430] : memref<1024xf32, #tpu.memory_space<vmem>> -> memref<16xf32, #tpu.memory_space<vmem>>
        %dma_start3A_432 = arith.constant 0 : i32
        %dma_start3A_433 = tpu.memref_slice %arg15[%dma_start3A_432] : memref<524288xf32, #tpu.memory_space<vmem_shared>> -> memref<524288xf32, #tpu.memory_space<vmem_shared>>
        tpu.enqueue_indirect_dma source(%dma_start3A_433 : memref<524288xf32, #tpu.memory_space<vmem_shared>>) target(%dma_start3A_431 : memref<16xf32, #tpu.memory_space<vmem>>) offsets(%get3A_429 : vector<16xi32>) semaphore(%arg16 : memref<!tpu.dma_semaphore, #tpu.memory_space<semaphore_mem>>)
      } else {
      }
      %dma_wait3A_293 = arith.constant 0 : i32
      %dma_wait3A_294 = tpu.memref_slice %arg13[%dma_wait3A_293] : memref<1024xf32, #tpu.memory_space<vmem>> -> memref<16xf32, #tpu.memory_space<vmem>>
      %dma_wait3A_295 = tpu.memref_slice %arg7[%mul3A_4] : memref<131072xf32, #tpu.memory_space<hbm>> -> memref<16xf32, #tpu.memory_space<hbm>>
      %dma_wait3A_296 = arith.constant 0 : i32
      %dma_wait3A_297 = tpu.memref_slice %arg13[%dma_wait3A_296] : memref<1024xf32, #tpu.memory_space<vmem>> -> memref<16xf32, #tpu.memory_space<vmem>>
      %dma_wait3A_298 = tpu.memref_slice %arg7[%mul3A_4] : memref<131072xf32, #tpu.memory_space<hbm>> -> memref<16xf32, #tpu.memory_space<hbm>>
      tpu.wait_dma2 semaphore(%arg17 : memref<!tpu.dma_semaphore, #tpu.memory_space<semaphore_mem>>) src(%dma_wait3A_298 : memref<16xf32, #tpu.memory_space<hbm>>) dst(%dma_wait3A_297 : memref<16xf32, #tpu.memory_space<vmem>>)
      %dma_wait3A_299 = arith.constant 16 : i32
      %dma_wait3A_300 = tpu.memref_slice %arg13[%dma_wait3A_299] : memref<1024xf32, #tpu.memory_space<vmem>> -> memref<16xf32, #tpu.memory_space<vmem>>
      %dma_wait3A_301 = tpu.memref_slice %arg7[%mul3A_4] : memref<131072xf32, #tpu.memory_space<hbm>> -> memref<16xf32, #tpu.memory_space<hbm>>
      %dma_wait3A_302 = arith.constant 16 : i32
      %dma_wait3A_303 = tpu.memref_slice %arg13[%dma_wait3A_302] : memref<1024xf32, #tpu.memory_space<vmem>> -> memref<16xf32, #tpu.memory_space<vmem>>
      %dma_wait3A_304 = tpu.memref_slice %arg7[%mul3A_4] : memref<131072xf32, #tpu.memory_space<hbm>> -> memref<16xf32, #tpu.memory_space<hbm>>
      tpu.wait_dma2 semaphore(%arg17 : memref<!tpu.dma_semaphore, #tpu.memory_space<semaphore_mem>>) src(%dma_wait3A_304 : memref<16xf32, #tpu.memory_space<hbm>>) dst(%dma_wait3A_303 : memref<16xf32, #tpu.memory_space<vmem>>)
      %dma_wait3A_305 = arith.constant 32 : i32
      %dma_wait3A_306 = tpu.memref_slice %arg13[%dma_wait3A_305] : memref<1024xf32, #tpu.memory_space<vmem>> -> memref<16xf32, #tpu.memory_space<vmem>>
      %dma_wait3A_307 = tpu.memref_slice %arg7[%mul3A_4] : memref<131072xf32, #tpu.memory_space<hbm>> -> memref<16xf32, #tpu.memory_space<hbm>>
      %dma_wait3A_308 = arith.constant 32 : i32
      %dma_wait3A_309 = tpu.memref_slice %arg13[%dma_wait3A_308] : memref<1024xf32, #tpu.memory_space<vmem>> -> memref<16xf32, #tpu.memory_space<vmem>>
      %dma_wait3A_310 = tpu.memref_slice %arg7[%mul3A_4] : memref<131072xf32, #tpu.memory_space<hbm>> -> memref<16xf32, #tpu.memory_space<hbm>>
      tpu.wait_dma2 semaphore(%arg17 : memref<!tpu.dma_semaphore, #tpu.memory_space<semaphore_mem>>) src(%dma_wait3A_310 : memref<16xf32, #tpu.memory_space<hbm>>) dst(%dma_wait3A_309 : memref<16xf32, #tpu.memory_space<vmem>>)
      %dma_wait3A_311 = arith.constant 48 : i32
      %dma_wait3A_312 = tpu.memref_slice %arg13[%dma_wait3A_311] : memref<1024xf32, #tpu.memory_space<vmem>> -> memref<16xf32, #tpu.memory_space<vmem>>
      %dma_wait3A_313 = tpu.memref_slice %arg7[%mul3A_4] : memref<131072xf32, #tpu.memory_space<hbm>> -> memref<16xf32, #tpu.memory_space<hbm>>
      %dma_wait3A_314 = arith.constant 48 : i32
      %dma_wait3A_315 = tpu.memref_slice %arg13[%dma_wait3A_314] : memref<1024xf32, #tpu.memory_space<vmem>> -> memref<16xf32, #tpu.memory_space<vmem>>
      %dma_wait3A_316 = tpu.memref_slice %arg7[%mul3A_4] : memref<131072xf32, #tpu.memory_space<hbm>> -> memref<16xf32, #tpu.memory_space<hbm>>
      tpu.wait_dma2 semaphore(%arg17 : memref<!tpu.dma_semaphore, #tpu.memory_space<semaphore_mem>>) src(%dma_wait3A_316 : memref<16xf32, #tpu.memory_space<hbm>>) dst(%dma_wait3A_315 : memref<16xf32, #tpu.memory_space<vmem>>)
      %dma_wait3A_317 = arith.constant 64 : i32
      %dma_wait3A_318 = tpu.memref_slice %arg13[%dma_wait3A_317] : memref<1024xf32, #tpu.memory_space<vmem>> -> memref<16xf32, #tpu.memory_space<vmem>>
      %dma_wait3A_319 = tpu.memref_slice %arg7[%mul3A_4] : memref<131072xf32, #tpu.memory_space<hbm>> -> memref<16xf32, #tpu.memory_space<hbm>>
      %dma_wait3A_320 = arith.constant 64 : i32
      %dma_wait3A_321 = tpu.memref_slice %arg13[%dma_wait3A_320] : memref<1024xf32, #tpu.memory_space<vmem>> -> memref<16xf32, #tpu.memory_space<vmem>>
      %dma_wait3A_322 = tpu.memref_slice %arg7[%mul3A_4] : memref<131072xf32, #tpu.memory_space<hbm>> -> memref<16xf32, #tpu.memory_space<hbm>>
      tpu.wait_dma2 semaphore(%arg17 : memref<!tpu.dma_semaphore, #tpu.memory_space<semaphore_mem>>) src(%dma_wait3A_322 : memref<16xf32, #tpu.memory_space<hbm>>) dst(%dma_wait3A_321 : memref<16xf32, #tpu.memory_space<vmem>>)
      %dma_wait3A_323 = arith.constant 80 : i32
      %dma_wait3A_324 = tpu.memref_slice %arg13[%dma_wait3A_323] : memref<1024xf32, #tpu.memory_space<vmem>> -> memref<16xf32, #tpu.memory_space<vmem>>
      %dma_wait3A_325 = tpu.memref_slice %arg7[%mul3A_4] : memref<131072xf32, #tpu.memory_space<hbm>> -> memref<16xf32, #tpu.memory_space<hbm>>
      %dma_wait3A_326 = arith.constant 80 : i32
      %dma_wait3A_327 = tpu.memref_slice %arg13[%dma_wait3A_326] : memref<1024xf32, #tpu.memory_space<vmem>> -> memref<16xf32, #tpu.memory_space<vmem>>
      %dma_wait3A_328 = tpu.memref_slice %arg7[%mul3A_4] : memref<131072xf32, #tpu.memory_space<hbm>> -> memref<16xf32, #tpu.memory_space<hbm>>
      tpu.wait_dma2 semaphore(%arg17 : memref<!tpu.dma_semaphore, #tpu.memory_space<semaphore_mem>>) src(%dma_wait3A_328 : memref<16xf32, #tpu.memory_space<hbm>>) dst(%dma_wait3A_327 : memref<16xf32, #tpu.memory_space<vmem>>)
      %dma_wait3A_329 = arith.constant 96 : i32
      %dma_wait3A_330 = tpu.memref_slice %arg13[%dma_wait3A_329] : memref<1024xf32, #tpu.memory_space<vmem>> -> memref<16xf32, #tpu.memory_space<vmem>>
      %dma_wait3A_331 = tpu.memref_slice %arg7[%mul3A_4] : memref<131072xf32, #tpu.memory_space<hbm>> -> memref<16xf32, #tpu.memory_space<hbm>>
      %dma_wait3A_332 = arith.constant 96 : i32
      %dma_wait3A_333 = tpu.memref_slice %arg13[%dma_wait3A_332] : memref<1024xf32, #tpu.memory_space<vmem>> -> memref<16xf32, #tpu.memory_space<vmem>>
      %dma_wait3A_334 = tpu.memref_slice %arg7[%mul3A_4] : memref<131072xf32, #tpu.memory_space<hbm>> -> memref<16xf32, #tpu.memory_space<hbm>>
      tpu.wait_dma2 semaphore(%arg17 : memref<!tpu.dma_semaphore, #tpu.memory_space<semaphore_mem>>) src(%dma_wait3A_334 : memref<16xf32, #tpu.memory_space<hbm>>) dst(%dma_wait3A_333 : memref<16xf32, #tpu.memory_space<vmem>>)
      %dma_wait3A_335 = arith.constant 112 : i32
      %dma_wait3A_336 = tpu.memref_slice %arg13[%dma_wait3A_335] : memref<1024xf32, #tpu.memory_space<vmem>> -> memref<16xf32, #tpu.memory_space<vmem>>
      %dma_wait3A_337 = tpu.memref_slice %arg7[%mul3A_4] : memref<131072xf32, #tpu.memory_space<hbm>> -> memref<16xf32, #tpu.memory_space<hbm>>
      %dma_wait3A_338 = arith.constant 112 : i32
      %dma_wait3A_339 = tpu.memref_slice %arg13[%dma_wait3A_338] : memref<1024xf32, #tpu.memory_space<vmem>> -> memref<16xf32, #tpu.memory_space<vmem>>
      %dma_wait3A_340 = tpu.memref_slice %arg7[%mul3A_4] : memref<131072xf32, #tpu.memory_space<hbm>> -> memref<16xf32, #tpu.memory_space<hbm>>
      tpu.wait_dma2 semaphore(%arg17 : memref<!tpu.dma_semaphore, #tpu.memory_space<semaphore_mem>>) src(%dma_wait3A_340 : memref<16xf32, #tpu.memory_space<hbm>>) dst(%dma_wait3A_339 : memref<16xf32, #tpu.memory_space<vmem>>)
      %mul3A_341 = arith.constant 1024 : i32
      %mul3A_342 = arith.muli %add3A_150, %mul3A_341 : i32
      %add3A_343 = arith.addi %mul3A_4, %mul3A_342 : i32
      "tpu.region"() ({
        %run_scoped3A = tpu.sem_alloc : memref<!tpu.dma_semaphore, #tpu.memory_space<semaphore_mem>>
        %dma_start3A_344 = tpu.memref_slice %arg7[%add3A_343] : memref<131072xf32, #tpu.memory_space<hbm>> -> memref<1024xf32, #tpu.memory_space<hbm>>
        %dma_start3A_345 = tpu.memref_slice %arg7[%add3A_343] : memref<131072xf32, #tpu.memory_space<hbm>> -> memref<1024xf32, #tpu.memory_space<hbm>>
        tpu.enqueue_dma source(%arg13 : memref<1024xf32, #tpu.memory_space<vmem>>) target(%dma_start3A_345 : memref<1024xf32, #tpu.memory_space<hbm>>) target_semaphore(%run_scoped3A : memref<!tpu.dma_semaphore, #tpu.memory_space<semaphore_mem>>)
        %dma_wait3A_346 = tpu.memref_slice %arg7[%add3A_343] : memref<131072xf32, #tpu.memory_space<hbm>> -> memref<1024xf32, #tpu.memory_space<hbm>>
        %dma_wait3A_347 = tpu.memref_slice %arg7[%add3A_343] : memref<131072xf32, #tpu.memory_space<hbm>> -> memref<1024xf32, #tpu.memory_space<hbm>>
        tpu.wait_dma2 semaphore(%run_scoped3A : memref<!tpu.dma_semaphore, #tpu.memory_space<semaphore_mem>>) src(%arg13 : memref<1024xf32, #tpu.memory_space<vmem>>) dst(%dma_wait3A_347 : memref<1024xf32, #tpu.memory_space<hbm>>)
        tpu.yield
      }) : () -> ()
    }
    %scan3A_143 = arith.constant 2 : i32
    return
  }
}

module attributes {stable_mosaic.version = 14 : i64} {
  func.func @_tc_body(%arg0: i32, %arg1: i32, %arg2: memref<9x2048x64xf32, #tpu.memory_space<vmem>>, %arg3: memref<8x2048xf32, #tpu.memory_space<vmem>>, %arg4: memref<8x2048xi32, #tpu.memory_space<vmem>>, %arg5: memref<16x64xf32, #tpu.memory_space<vmem>>, %arg6: memref<2048x1xi32, #tpu.memory_space<vmem>>, %arg7: memref<2048x1xi32, #tpu.memory_space<vmem>>, %arg8: memref<1x64xf32, #tpu.memory_space<vmem>>, %arg9: memref<1x64xf32, #tpu.memory_space<vmem>>, %arg10: memref<1x1xf32, #tpu.memory_space<vmem>>, %arg11: memref<9x64xf32, #tpu.memory_space<vmem>>, %arg12: memref<9x64xf32, #tpu.memory_space<vmem>>, %arg13: memref<9x64xf32, #tpu.memory_space<vmem>>, %arg14: memref<9x64xf32, #tpu.memory_space<vmem>>, %arg15: memref<1x1xf32, #tpu.memory_space<smem>>) attributes {dimension_semantics = [#tpu.dimension_semantics<arbitrary>, #tpu.dimension_semantics<arbitrary>], iteration_bounds = array<i64: 2, 8>, scalar_prefetch = 0 : i64, scratch_operands = 5 : i64, tpu.core_type = #tpu.core_type<tc>, window_params = [{transform_indices = @transform_0, window_bounds = array<i64: 9, 2048, 64>}, {transform_indices = @transform_1, window_bounds = array<i64: 8, 2048>}, {transform_indices = @transform_2, window_bounds = array<i64: 8, 2048>}, {pipeline_mode = #tpu.pipeline_mode<synchronous>, transform_indices = @transform_3, window_bounds = array<i64: 16, 64>}, {transform_indices = @transform_4, window_bounds = array<i64: 2048, 1>}, {transform_indices = @transform_5, window_bounds = array<i64: 2048, 1>}, {pipeline_mode = #tpu.pipeline_mode<synchronous>, transform_indices = @transform_6, window_bounds = array<i64: 1, 64>}, {pipeline_mode = #tpu.pipeline_mode<synchronous>, transform_indices = @transform_7, window_bounds = array<i64: 1, 64>}, {pipeline_mode = #tpu.pipeline_mode<synchronous>, transform_indices = @transform_8, window_bounds = array<i64: 1, 1>}]} {
    %eq3A = arith.constant 0 : i32
    %eq3A_0 = arith.cmpi eq, %arg0, %eq3A : i32
    %eq3A_1 = arith.constant 0 : i32
    %eq3A_2 = arith.cmpi eq, %arg1, %eq3A_1 : i32
    %and3A = arith.andi %eq3A_0, %eq3A_2 : i1
    %convert_element_type3A = arith.extui %and3A : i1 to i32
    %cond3A = arith.constant 0 : i32
    %cond3A_3 = arith.cmpi ne, %convert_element_type3A, %cond3A : i32
    scf.if %cond3A_3 {
      %broadcast_in_dim3A = arith.constant 0.000000e+00 : f32
      %broadcast_in_dim3A_30 = vector.broadcast %broadcast_in_dim3A : f32 to vector<9x64xf32>
      %swap3A = arith.constant 0 : index
      %swap3A_31 = arith.constant 0 : index
      %swap3A_32 = vector.load %arg11[%swap3A, %swap3A_31] : memref<9x64xf32, #tpu.memory_space<vmem>>, vector<9x64xf32>
      tpu.vector_store %arg11[%swap3A, %swap3A_31], %broadcast_in_dim3A_30 {strides = array<i32>} : memref<9x64xf32, #tpu.memory_space<vmem>>, vector<9x64xf32>,
      %broadcast_in_dim3A_33 = arith.constant 0.000000e+00 : f32
      %broadcast_in_dim3A_34 = vector.broadcast %broadcast_in_dim3A_33 : f32 to vector<9x64xf32>
      %swap3A_35 = arith.constant 0 : index
      %swap3A_36 = arith.constant 0 : index
      %swap3A_37 = vector.load %arg12[%swap3A_35, %swap3A_36] : memref<9x64xf32, #tpu.memory_space<vmem>>, vector<9x64xf32>
      tpu.vector_store %arg12[%swap3A_35, %swap3A_36], %broadcast_in_dim3A_34 {strides = array<i32>} : memref<9x64xf32, #tpu.memory_space<vmem>>, vector<9x64xf32>,
    } else {
    }
    %eq3A_4 = arith.constant 0 : i32
    %eq3A_5 = arith.cmpi eq, %arg0, %eq3A_4 : i32
    %convert_element_type3A_6 = arith.extui %eq3A_5 : i1 to i32
    %cond3A_7 = arith.constant 0 : i32
    %cond3A_8 = arith.cmpi ne, %convert_element_type3A_6, %cond3A_7 : i32
    scf.if %cond3A_8 {
      %get3A = arith.constant 0 : index
      %get3A_30 = arith.constant 0 : index
      %get3A_31 = arith.constant 0 : index
      %get3A_32 = vector.load %arg2[%get3A, %get3A_30, %get3A_31] : memref<9x2048x64xf32, #tpu.memory_space<vmem>>, vector<1x2048x64xf32>
      %get3A_33 = vector.shape_cast %get3A_32 : vector<1x2048x64xf32> to vector<2048x64xf32>
      %get3A_34 = arith.constant 0 : index
      %get3A_35 = arith.constant 0 : index
      %get3A_36 = vector.load %arg11[%get3A_34, %get3A_35] : memref<9x64xf32, #tpu.memory_space<vmem>>, vector<1x64xf32>
      %reduce_sum3A = arith.constant dense<0.000000e+00> : vector<64xf32>
      %reduce_sum3A_37 = vector.multi_reduction <add>, %get3A_33, %reduce_sum3A [0] : vector<2048x64xf32> to vector<64xf32>
      %broadcast_in_dim3A = vector.shape_cast %reduce_sum3A_37 : vector<64xf32> to vector<1x64xf32>
      %add3A = arith.addf %get3A_36, %broadcast_in_dim3A : vector<1x64xf32>
      %swap3A = arith.constant 0 : index
      %swap3A_38 = arith.constant 0 : index
      %swap3A_39 = vector.load %arg11[%swap3A, %swap3A_38] : memref<9x64xf32, #tpu.memory_space<vmem>>, vector<1x64xf32>
      tpu.vector_store %arg11[%swap3A, %swap3A_38], %add3A {strides = array<i32>} : memref<9x64xf32, #tpu.memory_space<vmem>>, vector<1x64xf32>,
      %get3A_40 = arith.constant 0 : index
      %get3A_41 = arith.constant 0 : index
      %get3A_42 = vector.load %arg12[%get3A_40, %get3A_41] : memref<9x64xf32, #tpu.memory_space<vmem>>, vector<1x64xf32>
      %mul3A = arith.mulf %get3A_33, %get3A_33 : vector<2048x64xf32>
      %reduce_sum3A_43 = arith.constant dense<0.000000e+00> : vector<64xf32>
      %reduce_sum3A_44 = vector.multi_reduction <add>, %mul3A, %reduce_sum3A_43 [0] : vector<2048x64xf32> to vector<64xf32>
      %broadcast_in_dim3A_45 = vector.shape_cast %reduce_sum3A_44 : vector<64xf32> to vector<1x64xf32>
      %add3A_46 = arith.addf %get3A_42, %broadcast_in_dim3A_45 : vector<1x64xf32>
      %swap3A_47 = arith.constant 0 : index
      %swap3A_48 = arith.constant 0 : index
      %swap3A_49 = vector.load %arg12[%swap3A_47, %swap3A_48] : memref<9x64xf32, #tpu.memory_space<vmem>>, vector<1x64xf32>
      tpu.vector_store %arg12[%swap3A_47, %swap3A_48], %add3A_46 {strides = array<i32>} : memref<9x64xf32, #tpu.memory_space<vmem>>, vector<1x64xf32>,
      %get3A_50 = arith.constant 1 : index
      %get3A_51 = arith.constant 0 : index
      %get3A_52 = arith.constant 0 : index
      %get3A_53 = vector.load %arg2[%get3A_50, %get3A_51, %get3A_52] : memref<9x2048x64xf32, #tpu.memory_space<vmem>>, vector<1x2048x64xf32>
      %get3A_54 = vector.shape_cast %get3A_53 : vector<1x2048x64xf32> to vector<2048x64xf32>
      %get3A_55 = arith.constant 1 : index
      %get3A_56 = arith.constant 0 : index
      %get3A_57 = vector.load %arg11[%get3A_55, %get3A_56] : memref<9x64xf32, #tpu.memory_space<vmem>>, vector<1x64xf32>
      %reduce_sum3A_58 = arith.constant dense<0.000000e+00> : vector<64xf32>
      %reduce_sum3A_59 = vector.multi_reduction <add>, %get3A_54, %reduce_sum3A_58 [0] : vector<2048x64xf32> to vector<64xf32>
      %broadcast_in_dim3A_60 = vector.shape_cast %reduce_sum3A_59 : vector<64xf32> to vector<1x64xf32>
      %add3A_61 = arith.addf %get3A_57, %broadcast_in_dim3A_60 : vector<1x64xf32>
      %swap3A_62 = arith.constant 1 : index
      %swap3A_63 = arith.constant 0 : index
      %swap3A_64 = vector.load %arg11[%swap3A_62, %swap3A_63] : memref<9x64xf32, #tpu.memory_space<vmem>>, vector<1x64xf32>
      tpu.vector_store %arg11[%swap3A_62, %swap3A_63], %add3A_61 {strides = array<i32>} : memref<9x64xf32, #tpu.memory_space<vmem>>, vector<1x64xf32>,
      %get3A_65 = arith.constant 1 : index
      %get3A_66 = arith.constant 0 : index
      %get3A_67 = vector.load %arg12[%get3A_65, %get3A_66] : memref<9x64xf32, #tpu.memory_space<vmem>>, vector<1x64xf32>
      %mul3A_68 = arith.mulf %get3A_54, %get3A_54 : vector<2048x64xf32>
      %reduce_sum3A_69 = arith.constant dense<0.000000e+00> : vector<64xf32>
      %reduce_sum3A_70 = vector.multi_reduction <add>, %mul3A_68, %reduce_sum3A_69 [0] : vector<2048x64xf32> to vector<64xf32>
      %broadcast_in_dim3A_71 = vector.shape_cast %reduce_sum3A_70 : vector<64xf32> to vector<1x64xf32>
      %add3A_72 = arith.addf %get3A_67, %broadcast_in_dim3A_71 : vector<1x64xf32>
      %swap3A_73 = arith.constant 1 : index
      %swap3A_74 = arith.constant 0 : index
      %swap3A_75 = vector.load %arg12[%swap3A_73, %swap3A_74] : memref<9x64xf32, #tpu.memory_space<vmem>>, vector<1x64xf32>
      tpu.vector_store %arg12[%swap3A_73, %swap3A_74], %add3A_72 {strides = array<i32>} : memref<9x64xf32, #tpu.memory_space<vmem>>, vector<1x64xf32>,
      %get3A_76 = arith.constant 2 : index
      %get3A_77 = arith.constant 0 : index
      %get3A_78 = arith.constant 0 : index
      %get3A_79 = vector.load %arg2[%get3A_76, %get3A_77, %get3A_78] : memref<9x2048x64xf32, #tpu.memory_space<vmem>>, vector<1x2048x64xf32>
      %get3A_80 = vector.shape_cast %get3A_79 : vector<1x2048x64xf32> to vector<2048x64xf32>
      %get3A_81 = arith.constant 2 : index
      %get3A_82 = arith.constant 0 : index
      %get3A_83 = vector.load %arg11[%get3A_81, %get3A_82] : memref<9x64xf32, #tpu.memory_space<vmem>>, vector<1x64xf32>
      %reduce_sum3A_84 = arith.constant dense<0.000000e+00> : vector<64xf32>
      %reduce_sum3A_85 = vector.multi_reduction <add>, %get3A_80, %reduce_sum3A_84 [0] : vector<2048x64xf32> to vector<64xf32>
      %broadcast_in_dim3A_86 = vector.shape_cast %reduce_sum3A_85 : vector<64xf32> to vector<1x64xf32>
      %add3A_87 = arith.addf %get3A_83, %broadcast_in_dim3A_86 : vector<1x64xf32>
      %swap3A_88 = arith.constant 2 : index
      %swap3A_89 = arith.constant 0 : index
      %swap3A_90 = vector.load %arg11[%swap3A_88, %swap3A_89] : memref<9x64xf32, #tpu.memory_space<vmem>>, vector<1x64xf32>
      tpu.vector_store %arg11[%swap3A_88, %swap3A_89], %add3A_87 {strides = array<i32>} : memref<9x64xf32, #tpu.memory_space<vmem>>, vector<1x64xf32>,
      %get3A_91 = arith.constant 2 : index
      %get3A_92 = arith.constant 0 : index
      %get3A_93 = vector.load %arg12[%get3A_91, %get3A_92] : memref<9x64xf32, #tpu.memory_space<vmem>>, vector<1x64xf32>
      %mul3A_94 = arith.mulf %get3A_80, %get3A_80 : vector<2048x64xf32>
      %reduce_sum3A_95 = arith.constant dense<0.000000e+00> : vector<64xf32>
      %reduce_sum3A_96 = vector.multi_reduction <add>, %mul3A_94, %reduce_sum3A_95 [0] : vector<2048x64xf32> to vector<64xf32>
      %broadcast_in_dim3A_97 = vector.shape_cast %reduce_sum3A_96 : vector<64xf32> to vector<1x64xf32>
      %add3A_98 = arith.addf %get3A_93, %broadcast_in_dim3A_97 : vector<1x64xf32>
      %swap3A_99 = arith.constant 2 : index
      %swap3A_100 = arith.constant 0 : index
      %swap3A_101 = vector.load %arg12[%swap3A_99, %swap3A_100] : memref<9x64xf32, #tpu.memory_space<vmem>>, vector<1x64xf32>
      tpu.vector_store %arg12[%swap3A_99, %swap3A_100], %add3A_98 {strides = array<i32>} : memref<9x64xf32, #tpu.memory_space<vmem>>, vector<1x64xf32>,
      %get3A_102 = arith.constant 3 : index
      %get3A_103 = arith.constant 0 : index
      %get3A_104 = arith.constant 0 : index
      %get3A_105 = vector.load %arg2[%get3A_102, %get3A_103, %get3A_104] : memref<9x2048x64xf32, #tpu.memory_space<vmem>>, vector<1x2048x64xf32>
      %get3A_106 = vector.shape_cast %get3A_105 : vector<1x2048x64xf32> to vector<2048x64xf32>
      %get3A_107 = arith.constant 3 : index
      %get3A_108 = arith.constant 0 : index
      %get3A_109 = vector.load %arg11[%get3A_107, %get3A_108] : memref<9x64xf32, #tpu.memory_space<vmem>>, vector<1x64xf32>
      %reduce_sum3A_110 = arith.constant dense<0.000000e+00> : vector<64xf32>
      %reduce_sum3A_111 = vector.multi_reduction <add>, %get3A_106, %reduce_sum3A_110 [0] : vector<2048x64xf32> to vector<64xf32>
      %broadcast_in_dim3A_112 = vector.shape_cast %reduce_sum3A_111 : vector<64xf32> to vector<1x64xf32>
      %add3A_113 = arith.addf %get3A_109, %broadcast_in_dim3A_112 : vector<1x64xf32>
      %swap3A_114 = arith.constant 3 : index
      %swap3A_115 = arith.constant 0 : index
      %swap3A_116 = vector.load %arg11[%swap3A_114, %swap3A_115] : memref<9x64xf32, #tpu.memory_space<vmem>>, vector<1x64xf32>
      tpu.vector_store %arg11[%swap3A_114, %swap3A_115], %add3A_113 {strides = array<i32>} : memref<9x64xf32, #tpu.memory_space<vmem>>, vector<1x64xf32>,
      %get3A_117 = arith.constant 3 : index
      %get3A_118 = arith.constant 0 : index
      %get3A_119 = vector.load %arg12[%get3A_117, %get3A_118] : memref<9x64xf32, #tpu.memory_space<vmem>>, vector<1x64xf32>
      %mul3A_120 = arith.mulf %get3A_106, %get3A_106 : vector<2048x64xf32>
      %reduce_sum3A_121 = arith.constant dense<0.000000e+00> : vector<64xf32>
      %reduce_sum3A_122 = vector.multi_reduction <add>, %mul3A_120, %reduce_sum3A_121 [0] : vector<2048x64xf32> to vector<64xf32>
      %broadcast_in_dim3A_123 = vector.shape_cast %reduce_sum3A_122 : vector<64xf32> to vector<1x64xf32>
      %add3A_124 = arith.addf %get3A_119, %broadcast_in_dim3A_123 : vector<1x64xf32>
      %swap3A_125 = arith.constant 3 : index
      %swap3A_126 = arith.constant 0 : index
      %swap3A_127 = vector.load %arg12[%swap3A_125, %swap3A_126] : memref<9x64xf32, #tpu.memory_space<vmem>>, vector<1x64xf32>
      tpu.vector_store %arg12[%swap3A_125, %swap3A_126], %add3A_124 {strides = array<i32>} : memref<9x64xf32, #tpu.memory_space<vmem>>, vector<1x64xf32>,
      %get3A_128 = arith.constant 4 : index
      %get3A_129 = arith.constant 0 : index
      %get3A_130 = arith.constant 0 : index
      %get3A_131 = vector.load %arg2[%get3A_128, %get3A_129, %get3A_130] : memref<9x2048x64xf32, #tpu.memory_space<vmem>>, vector<1x2048x64xf32>
      %get3A_132 = vector.shape_cast %get3A_131 : vector<1x2048x64xf32> to vector<2048x64xf32>
      %get3A_133 = arith.constant 4 : index
      %get3A_134 = arith.constant 0 : index
      %get3A_135 = vector.load %arg11[%get3A_133, %get3A_134] : memref<9x64xf32, #tpu.memory_space<vmem>>, vector<1x64xf32>
      %reduce_sum3A_136 = arith.constant dense<0.000000e+00> : vector<64xf32>
      %reduce_sum3A_137 = vector.multi_reduction <add>, %get3A_132, %reduce_sum3A_136 [0] : vector<2048x64xf32> to vector<64xf32>
      %broadcast_in_dim3A_138 = vector.shape_cast %reduce_sum3A_137 : vector<64xf32> to vector<1x64xf32>
      %add3A_139 = arith.addf %get3A_135, %broadcast_in_dim3A_138 : vector<1x64xf32>
      %swap3A_140 = arith.constant 4 : index
      %swap3A_141 = arith.constant 0 : index
      %swap3A_142 = vector.load %arg11[%swap3A_140, %swap3A_141] : memref<9x64xf32, #tpu.memory_space<vmem>>, vector<1x64xf32>
      tpu.vector_store %arg11[%swap3A_140, %swap3A_141], %add3A_139 {strides = array<i32>} : memref<9x64xf32, #tpu.memory_space<vmem>>, vector<1x64xf32>,
      %get3A_143 = arith.constant 4 : index
      %get3A_144 = arith.constant 0 : index
      %get3A_145 = vector.load %arg12[%get3A_143, %get3A_144] : memref<9x64xf32, #tpu.memory_space<vmem>>, vector<1x64xf32>
      %mul3A_146 = arith.mulf %get3A_132, %get3A_132 : vector<2048x64xf32>
      %reduce_sum3A_147 = arith.constant dense<0.000000e+00> : vector<64xf32>
      %reduce_sum3A_148 = vector.multi_reduction <add>, %mul3A_146, %reduce_sum3A_147 [0] : vector<2048x64xf32> to vector<64xf32>
      %broadcast_in_dim3A_149 = vector.shape_cast %reduce_sum3A_148 : vector<64xf32> to vector<1x64xf32>
      %add3A_150 = arith.addf %get3A_145, %broadcast_in_dim3A_149 : vector<1x64xf32>
      %swap3A_151 = arith.constant 4 : index
      %swap3A_152 = arith.constant 0 : index
      %swap3A_153 = vector.load %arg12[%swap3A_151, %swap3A_152] : memref<9x64xf32, #tpu.memory_space<vmem>>, vector<1x64xf32>
      tpu.vector_store %arg12[%swap3A_151, %swap3A_152], %add3A_150 {strides = array<i32>} : memref<9x64xf32, #tpu.memory_space<vmem>>, vector<1x64xf32>,
      %get3A_154 = arith.constant 5 : index
      %get3A_155 = arith.constant 0 : index
      %get3A_156 = arith.constant 0 : index
      %get3A_157 = vector.load %arg2[%get3A_154, %get3A_155, %get3A_156] : memref<9x2048x64xf32, #tpu.memory_space<vmem>>, vector<1x2048x64xf32>
      %get3A_158 = vector.shape_cast %get3A_157 : vector<1x2048x64xf32> to vector<2048x64xf32>
      %get3A_159 = arith.constant 5 : index
      %get3A_160 = arith.constant 0 : index
      %get3A_161 = vector.load %arg11[%get3A_159, %get3A_160] : memref<9x64xf32, #tpu.memory_space<vmem>>, vector<1x64xf32>
      %reduce_sum3A_162 = arith.constant dense<0.000000e+00> : vector<64xf32>
      %reduce_sum3A_163 = vector.multi_reduction <add>, %get3A_158, %reduce_sum3A_162 [0] : vector<2048x64xf32> to vector<64xf32>
      %broadcast_in_dim3A_164 = vector.shape_cast %reduce_sum3A_163 : vector<64xf32> to vector<1x64xf32>
      %add3A_165 = arith.addf %get3A_161, %broadcast_in_dim3A_164 : vector<1x64xf32>
      %swap3A_166 = arith.constant 5 : index
      %swap3A_167 = arith.constant 0 : index
      %swap3A_168 = vector.load %arg11[%swap3A_166, %swap3A_167] : memref<9x64xf32, #tpu.memory_space<vmem>>, vector<1x64xf32>
      tpu.vector_store %arg11[%swap3A_166, %swap3A_167], %add3A_165 {strides = array<i32>} : memref<9x64xf32, #tpu.memory_space<vmem>>, vector<1x64xf32>,
      %get3A_169 = arith.constant 5 : index
      %get3A_170 = arith.constant 0 : index
      %get3A_171 = vector.load %arg12[%get3A_169, %get3A_170] : memref<9x64xf32, #tpu.memory_space<vmem>>, vector<1x64xf32>
      %mul3A_172 = arith.mulf %get3A_158, %get3A_158 : vector<2048x64xf32>
      %reduce_sum3A_173 = arith.constant dense<0.000000e+00> : vector<64xf32>
      %reduce_sum3A_174 = vector.multi_reduction <add>, %mul3A_172, %reduce_sum3A_173 [0] : vector<2048x64xf32> to vector<64xf32>
      %broadcast_in_dim3A_175 = vector.shape_cast %reduce_sum3A_174 : vector<64xf32> to vector<1x64xf32>
      %add3A_176 = arith.addf %get3A_171, %broadcast_in_dim3A_175 : vector<1x64xf32>
      %swap3A_177 = arith.constant 5 : index
      %swap3A_178 = arith.constant 0 : index
      %swap3A_179 = vector.load %arg12[%swap3A_177, %swap3A_178] : memref<9x64xf32, #tpu.memory_space<vmem>>, vector<1x64xf32>
      tpu.vector_store %arg12[%swap3A_177, %swap3A_178], %add3A_176 {strides = array<i32>} : memref<9x64xf32, #tpu.memory_space<vmem>>, vector<1x64xf32>,
      %get3A_180 = arith.constant 6 : index
      %get3A_181 = arith.constant 0 : index
      %get3A_182 = arith.constant 0 : index
      %get3A_183 = vector.load %arg2[%get3A_180, %get3A_181, %get3A_182] : memref<9x2048x64xf32, #tpu.memory_space<vmem>>, vector<1x2048x64xf32>
      %get3A_184 = vector.shape_cast %get3A_183 : vector<1x2048x64xf32> to vector<2048x64xf32>
      %get3A_185 = arith.constant 6 : index
      %get3A_186 = arith.constant 0 : index
      %get3A_187 = vector.load %arg11[%get3A_185, %get3A_186] : memref<9x64xf32, #tpu.memory_space<vmem>>, vector<1x64xf32>
      %reduce_sum3A_188 = arith.constant dense<0.000000e+00> : vector<64xf32>
      %reduce_sum3A_189 = vector.multi_reduction <add>, %get3A_184, %reduce_sum3A_188 [0] : vector<2048x64xf32> to vector<64xf32>
      %broadcast_in_dim3A_190 = vector.shape_cast %reduce_sum3A_189 : vector<64xf32> to vector<1x64xf32>
      %add3A_191 = arith.addf %get3A_187, %broadcast_in_dim3A_190 : vector<1x64xf32>
      %swap3A_192 = arith.constant 6 : index
      %swap3A_193 = arith.constant 0 : index
      %swap3A_194 = vector.load %arg11[%swap3A_192, %swap3A_193] : memref<9x64xf32, #tpu.memory_space<vmem>>, vector<1x64xf32>
      tpu.vector_store %arg11[%swap3A_192, %swap3A_193], %add3A_191 {strides = array<i32>} : memref<9x64xf32, #tpu.memory_space<vmem>>, vector<1x64xf32>,
      %get3A_195 = arith.constant 6 : index
      %get3A_196 = arith.constant 0 : index
      %get3A_197 = vector.load %arg12[%get3A_195, %get3A_196] : memref<9x64xf32, #tpu.memory_space<vmem>>, vector<1x64xf32>
      %mul3A_198 = arith.mulf %get3A_184, %get3A_184 : vector<2048x64xf32>
      %reduce_sum3A_199 = arith.constant dense<0.000000e+00> : vector<64xf32>
      %reduce_sum3A_200 = vector.multi_reduction <add>, %mul3A_198, %reduce_sum3A_199 [0] : vector<2048x64xf32> to vector<64xf32>
      %broadcast_in_dim3A_201 = vector.shape_cast %reduce_sum3A_200 : vector<64xf32> to vector<1x64xf32>
      %add3A_202 = arith.addf %get3A_197, %broadcast_in_dim3A_201 : vector<1x64xf32>
      %swap3A_203 = arith.constant 6 : index
      %swap3A_204 = arith.constant 0 : index
      %swap3A_205 = vector.load %arg12[%swap3A_203, %swap3A_204] : memref<9x64xf32, #tpu.memory_space<vmem>>, vector<1x64xf32>
      tpu.vector_store %arg12[%swap3A_203, %swap3A_204], %add3A_202 {strides = array<i32>} : memref<9x64xf32, #tpu.memory_space<vmem>>, vector<1x64xf32>,
      %get3A_206 = arith.constant 7 : index
      %get3A_207 = arith.constant 0 : index
      %get3A_208 = arith.constant 0 : index
      %get3A_209 = vector.load %arg2[%get3A_206, %get3A_207, %get3A_208] : memref<9x2048x64xf32, #tpu.memory_space<vmem>>, vector<1x2048x64xf32>
      %get3A_210 = vector.shape_cast %get3A_209 : vector<1x2048x64xf32> to vector<2048x64xf32>
      %get3A_211 = arith.constant 7 : index
      %get3A_212 = arith.constant 0 : index
      %get3A_213 = vector.load %arg11[%get3A_211, %get3A_212] : memref<9x64xf32, #tpu.memory_space<vmem>>, vector<1x64xf32>
      %reduce_sum3A_214 = arith.constant dense<0.000000e+00> : vector<64xf32>
      %reduce_sum3A_215 = vector.multi_reduction <add>, %get3A_210, %reduce_sum3A_214 [0] : vector<2048x64xf32> to vector<64xf32>
      %broadcast_in_dim3A_216 = vector.shape_cast %reduce_sum3A_215 : vector<64xf32> to vector<1x64xf32>
      %add3A_217 = arith.addf %get3A_213, %broadcast_in_dim3A_216 : vector<1x64xf32>
      %swap3A_218 = arith.constant 7 : index
      %swap3A_219 = arith.constant 0 : index
      %swap3A_220 = vector.load %arg11[%swap3A_218, %swap3A_219] : memref<9x64xf32, #tpu.memory_space<vmem>>, vector<1x64xf32>
      tpu.vector_store %arg11[%swap3A_218, %swap3A_219], %add3A_217 {strides = array<i32>} : memref<9x64xf32, #tpu.memory_space<vmem>>, vector<1x64xf32>,
      %get3A_221 = arith.constant 7 : index
      %get3A_222 = arith.constant 0 : index
      %get3A_223 = vector.load %arg12[%get3A_221, %get3A_222] : memref<9x64xf32, #tpu.memory_space<vmem>>, vector<1x64xf32>
      %mul3A_224 = arith.mulf %get3A_210, %get3A_210 : vector<2048x64xf32>
      %reduce_sum3A_225 = arith.constant dense<0.000000e+00> : vector<64xf32>
      %reduce_sum3A_226 = vector.multi_reduction <add>, %mul3A_224, %reduce_sum3A_225 [0] : vector<2048x64xf32> to vector<64xf32>
      %broadcast_in_dim3A_227 = vector.shape_cast %reduce_sum3A_226 : vector<64xf32> to vector<1x64xf32>
      %add3A_228 = arith.addf %get3A_223, %broadcast_in_dim3A_227 : vector<1x64xf32>
      %swap3A_229 = arith.constant 7 : index
      %swap3A_230 = arith.constant 0 : index
      %swap3A_231 = vector.load %arg12[%swap3A_229, %swap3A_230] : memref<9x64xf32, #tpu.memory_space<vmem>>, vector<1x64xf32>
      tpu.vector_store %arg12[%swap3A_229, %swap3A_230], %add3A_228 {strides = array<i32>} : memref<9x64xf32, #tpu.memory_space<vmem>>, vector<1x64xf32>,
      %get3A_232 = arith.constant 8 : index
      %get3A_233 = arith.constant 0 : index
      %get3A_234 = arith.constant 0 : index
      %get3A_235 = vector.load %arg2[%get3A_232, %get3A_233, %get3A_234] : memref<9x2048x64xf32, #tpu.memory_space<vmem>>, vector<1x2048x64xf32>
      %get3A_236 = vector.shape_cast %get3A_235 : vector<1x2048x64xf32> to vector<2048x64xf32>
      %get3A_237 = arith.constant 8 : index
      %get3A_238 = arith.constant 0 : index
      %get3A_239 = vector.load %arg11[%get3A_237, %get3A_238] : memref<9x64xf32, #tpu.memory_space<vmem>>, vector<1x64xf32>
      %reduce_sum3A_240 = arith.constant dense<0.000000e+00> : vector<64xf32>
      %reduce_sum3A_241 = vector.multi_reduction <add>, %get3A_236, %reduce_sum3A_240 [0] : vector<2048x64xf32> to vector<64xf32>
      %broadcast_in_dim3A_242 = vector.shape_cast %reduce_sum3A_241 : vector<64xf32> to vector<1x64xf32>
      %add3A_243 = arith.addf %get3A_239, %broadcast_in_dim3A_242 : vector<1x64xf32>
      %swap3A_244 = arith.constant 8 : index
      %swap3A_245 = arith.constant 0 : index
      %swap3A_246 = vector.load %arg11[%swap3A_244, %swap3A_245] : memref<9x64xf32, #tpu.memory_space<vmem>>, vector<1x64xf32>
      tpu.vector_store %arg11[%swap3A_244, %swap3A_245], %add3A_243 {strides = array<i32>} : memref<9x64xf32, #tpu.memory_space<vmem>>, vector<1x64xf32>,
      %get3A_247 = arith.constant 8 : index
      %get3A_248 = arith.constant 0 : index
      %get3A_249 = vector.load %arg12[%get3A_247, %get3A_248] : memref<9x64xf32, #tpu.memory_space<vmem>>, vector<1x64xf32>
      %mul3A_250 = arith.mulf %get3A_236, %get3A_236 : vector<2048x64xf32>
      %reduce_sum3A_251 = arith.constant dense<0.000000e+00> : vector<64xf32>
      %reduce_sum3A_252 = vector.multi_reduction <add>, %mul3A_250, %reduce_sum3A_251 [0] : vector<2048x64xf32> to vector<64xf32>
      %broadcast_in_dim3A_253 = vector.shape_cast %reduce_sum3A_252 : vector<64xf32> to vector<1x64xf32>
      %add3A_254 = arith.addf %get3A_249, %broadcast_in_dim3A_253 : vector<1x64xf32>
      %swap3A_255 = arith.constant 8 : index
      %swap3A_256 = arith.constant 0 : index
      %swap3A_257 = vector.load %arg12[%swap3A_255, %swap3A_256] : memref<9x64xf32, #tpu.memory_space<vmem>>, vector<1x64xf32>
      tpu.vector_store %arg12[%swap3A_255, %swap3A_256], %add3A_254 {strides = array<i32>} : memref<9x64xf32, #tpu.memory_space<vmem>>, vector<1x64xf32>,
    } else {
    }
    %eq3A_9 = arith.constant 1 : i32
    %eq3A_10 = arith.cmpi eq, %arg0, %eq3A_9 : i32
    %eq3A_11 = arith.constant 0 : i32
    %eq3A_12 = arith.cmpi eq, %arg1, %eq3A_11 : i32
    %and3A_13 = arith.andi %eq3A_10, %eq3A_12 : i1
    %convert_element_type3A_14 = arith.extui %and3A_13 : i1 to i32
    %cond3A_15 = arith.constant 0 : i32
    %cond3A_16 = arith.cmpi ne, %convert_element_type3A_14, %cond3A_15 : i32
    scf.if %cond3A_16 {
      %get3A = arith.constant 0 : index
      %get3A_30 = arith.constant 0 : index
      %get3A_31 = vector.load %arg11[%get3A, %get3A_30] : memref<9x64xf32, #tpu.memory_space<vmem>>, vector<9x64xf32>
      %mul3A = arith.constant 6.10351563E-5 : f32
      %mul3A_32 = vector.broadcast %mul3A : f32 to vector<9x64xf32>
      %mul3A_33 = arith.mulf %get3A_31, %mul3A_32 : vector<9x64xf32>
      %get3A_34 = arith.constant 0 : index
      %get3A_35 = arith.constant 0 : index
      %get3A_36 = vector.load %arg12[%get3A_34, %get3A_35] : memref<9x64xf32, #tpu.memory_space<vmem>>, vector<9x64xf32>
      %mul3A_37 = arith.constant 6.10351563E-5 : f32
      %mul3A_38 = vector.broadcast %mul3A_37 : f32 to vector<9x64xf32>
      %mul3A_39 = arith.mulf %get3A_36, %mul3A_38 : vector<9x64xf32>
      %mul3A_40 = arith.mulf %mul3A_33, %mul3A_33 : vector<9x64xf32>
      %sub3A = arith.subf %mul3A_39, %mul3A_40 : vector<9x64xf32>
      %add3A = arith.constant 9.99999974E-6 : f32
      %add3A_41 = vector.broadcast %add3A : f32 to vector<9x64xf32>
      %add3A_42 = arith.addf %sub3A, %add3A_41 : vector<9x64xf32>
      %rsqrt3A = math.rsqrt %add3A_42 : vector<9x64xf32>
      %get3A_43 = arith.constant 0 : index
      %get3A_44 = arith.constant 0 : index
      %get3A_45 = vector.load %arg8[%get3A_43, %get3A_44] : memref<1x64xf32, #tpu.memory_space<vmem>>, vector<1x64xf32>
      %get3A_46 = arith.constant 0 : index
      %get3A_47 = arith.constant 0 : index
      %get3A_48 = vector.load %arg9[%get3A_46, %get3A_47] : memref<1x64xf32, #tpu.memory_space<vmem>>, vector<1x64xf32>
      %mul3A_49 = vector.broadcast %get3A_45 : vector<1x64xf32> to vector<9x64xf32>
      %mul3A_50 = arith.mulf %rsqrt3A, %mul3A_49 : vector<9x64xf32>
      %swap3A = arith.constant 0 : index
      %swap3A_51 = arith.constant 0 : index
      %swap3A_52 = vector.load %arg13[%swap3A, %swap3A_51] : memref<9x64xf32, #tpu.memory_space<vmem>>, vector<9x64xf32>
      tpu.vector_store %arg13[%swap3A, %swap3A_51], %mul3A_50 {strides = array<i32>} : memref<9x64xf32, #tpu.memory_space<vmem>>, vector<9x64xf32>,
      %mul3A_53 = arith.mulf %mul3A_33, %rsqrt3A : vector<9x64xf32>
      %mul3A_54 = vector.broadcast %get3A_45 : vector<1x64xf32> to vector<9x64xf32>
      %mul3A_55 = arith.mulf %mul3A_53, %mul3A_54 : vector<9x64xf32>
      %sub3A_56 = vector.broadcast %get3A_48 : vector<1x64xf32> to vector<9x64xf32>
      %sub3A_57 = arith.subf %sub3A_56, %mul3A_55 : vector<9x64xf32>
      %swap3A_58 = arith.constant 0 : index
      %swap3A_59 = arith.constant 0 : index
      %swap3A_60 = vector.load %arg14[%swap3A_58, %swap3A_59] : memref<9x64xf32, #tpu.memory_space<vmem>>, vector<9x64xf32>
      tpu.vector_store %arg14[%swap3A_58, %swap3A_59], %sub3A_57 {strides = array<i32>} : memref<9x64xf32, #tpu.memory_space<vmem>>, vector<9x64xf32>,
      %swap3A_61 = arith.constant 0.000000e+00 : f32
      %swap3A_62 = arith.constant 0 : index
      %swap3A_63 = arith.constant 0 : index
      %swap3A_64 = memref.load %arg15[%swap3A_62, %swap3A_63] : memref<1x1xf32, #tpu.memory_space<smem>>
      memref.store %swap3A_61, %arg15[%swap3A_62, %swap3A_63] : memref<1x1xf32, #tpu.memory_space<smem>>
    } else {
    }
    %eq3A_17 = arith.constant 1 : i32
    %eq3A_18 = arith.cmpi eq, %arg0, %eq3A_17 : i32
    %convert_element_type3A_19 = arith.extui %eq3A_18 : i1 to i32
    %cond3A_20 = arith.constant 0 : i32
    %cond3A_21 = arith.cmpi ne, %convert_element_type3A_19, %cond3A_20 : i32
    scf.if %cond3A_21 {
      %get3A = arith.constant 0 : index
      %get3A_30 = arith.constant 0 : index
      %get3A_31 = arith.constant 0 : index
      %get3A_32 = vector.load %arg2[%get3A, %get3A_30, %get3A_31] : memref<9x2048x64xf32, #tpu.memory_space<vmem>>, vector<1x2048x64xf32>
      %get3A_33 = vector.shape_cast %get3A_32 : vector<1x2048x64xf32> to vector<2048x64xf32>
      %get3A_34 = arith.constant 0 : index
      %get3A_35 = arith.constant 0 : index
      %get3A_36 = vector.load %arg13[%get3A_34, %get3A_35] : memref<9x64xf32, #tpu.memory_space<vmem>>, vector<1x64xf32>
      %mul3A = vector.broadcast %get3A_36 : vector<1x64xf32> to vector<2048x64xf32>
      %mul3A_37 = arith.mulf %get3A_33, %mul3A : vector<2048x64xf32>
      %get3A_38 = arith.constant 0 : index
      %get3A_39 = arith.constant 0 : index
      %get3A_40 = vector.load %arg14[%get3A_38, %get3A_39] : memref<9x64xf32, #tpu.memory_space<vmem>>, vector<1x64xf32>
      %add3A = vector.broadcast %get3A_40 : vector<1x64xf32> to vector<2048x64xf32>
      %add3A_41 = arith.addf %mul3A_37, %add3A : vector<2048x64xf32>
      %get3A_42 = arith.constant 1 : index
      %get3A_43 = arith.constant 0 : index
      %get3A_44 = arith.constant 0 : index
      %get3A_45 = vector.load %arg2[%get3A_42, %get3A_43, %get3A_44] : memref<9x2048x64xf32, #tpu.memory_space<vmem>>, vector<1x2048x64xf32>
      %get3A_46 = vector.shape_cast %get3A_45 : vector<1x2048x64xf32> to vector<2048x64xf32>
      %get3A_47 = arith.constant 1 : index
      %get3A_48 = arith.constant 0 : index
      %get3A_49 = vector.load %arg13[%get3A_47, %get3A_48] : memref<9x64xf32, #tpu.memory_space<vmem>>, vector<1x64xf32>
      %mul3A_50 = vector.broadcast %get3A_49 : vector<1x64xf32> to vector<2048x64xf32>
      %mul3A_51 = arith.mulf %get3A_46, %mul3A_50 : vector<2048x64xf32>
      %get3A_52 = arith.constant 1 : index
      %get3A_53 = arith.constant 0 : index
      %get3A_54 = vector.load %arg14[%get3A_52, %get3A_53] : memref<9x64xf32, #tpu.memory_space<vmem>>, vector<1x64xf32>
      %add3A_55 = vector.broadcast %get3A_54 : vector<1x64xf32> to vector<2048x64xf32>
      %add3A_56 = arith.addf %mul3A_51, %add3A_55 : vector<2048x64xf32>
      %get3A_57 = arith.constant 2 : index
      %get3A_58 = arith.constant 0 : index
      %get3A_59 = arith.constant 0 : index
      %get3A_60 = vector.load %arg2[%get3A_57, %get3A_58, %get3A_59] : memref<9x2048x64xf32, #tpu.memory_space<vmem>>, vector<1x2048x64xf32>
      %get3A_61 = vector.shape_cast %get3A_60 : vector<1x2048x64xf32> to vector<2048x64xf32>
      %get3A_62 = arith.constant 2 : index
      %get3A_63 = arith.constant 0 : index
      %get3A_64 = vector.load %arg13[%get3A_62, %get3A_63] : memref<9x64xf32, #tpu.memory_space<vmem>>, vector<1x64xf32>
      %mul3A_65 = vector.broadcast %get3A_64 : vector<1x64xf32> to vector<2048x64xf32>
      %mul3A_66 = arith.mulf %get3A_61, %mul3A_65 : vector<2048x64xf32>
      %get3A_67 = arith.constant 2 : index
      %get3A_68 = arith.constant 0 : index
      %get3A_69 = vector.load %arg14[%get3A_67, %get3A_68] : memref<9x64xf32, #tpu.memory_space<vmem>>, vector<1x64xf32>
      %add3A_70 = vector.broadcast %get3A_69 : vector<1x64xf32> to vector<2048x64xf32>
      %add3A_71 = arith.addf %mul3A_66, %add3A_70 : vector<2048x64xf32>
      %get3A_72 = arith.constant 3 : index
      %get3A_73 = arith.constant 0 : index
      %get3A_74 = arith.constant 0 : index
      %get3A_75 = vector.load %arg2[%get3A_72, %get3A_73, %get3A_74] : memref<9x2048x64xf32, #tpu.memory_space<vmem>>, vector<1x2048x64xf32>
      %get3A_76 = vector.shape_cast %get3A_75 : vector<1x2048x64xf32> to vector<2048x64xf32>
      %get3A_77 = arith.constant 3 : index
      %get3A_78 = arith.constant 0 : index
      %get3A_79 = vector.load %arg13[%get3A_77, %get3A_78] : memref<9x64xf32, #tpu.memory_space<vmem>>, vector<1x64xf32>
      %mul3A_80 = vector.broadcast %get3A_79 : vector<1x64xf32> to vector<2048x64xf32>
      %mul3A_81 = arith.mulf %get3A_76, %mul3A_80 : vector<2048x64xf32>
      %get3A_82 = arith.constant 3 : index
      %get3A_83 = arith.constant 0 : index
      %get3A_84 = vector.load %arg14[%get3A_82, %get3A_83] : memref<9x64xf32, #tpu.memory_space<vmem>>, vector<1x64xf32>
      %add3A_85 = vector.broadcast %get3A_84 : vector<1x64xf32> to vector<2048x64xf32>
      %add3A_86 = arith.addf %mul3A_81, %add3A_85 : vector<2048x64xf32>
      %get3A_87 = arith.constant 4 : index
      %get3A_88 = arith.constant 0 : index
      %get3A_89 = arith.constant 0 : index
      %get3A_90 = vector.load %arg2[%get3A_87, %get3A_88, %get3A_89] : memref<9x2048x64xf32, #tpu.memory_space<vmem>>, vector<1x2048x64xf32>
      %get3A_91 = vector.shape_cast %get3A_90 : vector<1x2048x64xf32> to vector<2048x64xf32>
      %get3A_92 = arith.constant 4 : index
      %get3A_93 = arith.constant 0 : index
      %get3A_94 = vector.load %arg13[%get3A_92, %get3A_93] : memref<9x64xf32, #tpu.memory_space<vmem>>, vector<1x64xf32>
      %mul3A_95 = vector.broadcast %get3A_94 : vector<1x64xf32> to vector<2048x64xf32>
      %mul3A_96 = arith.mulf %get3A_91, %mul3A_95 : vector<2048x64xf32>
      %get3A_97 = arith.constant 4 : index
      %get3A_98 = arith.constant 0 : index
      %get3A_99 = vector.load %arg14[%get3A_97, %get3A_98] : memref<9x64xf32, #tpu.memory_space<vmem>>, vector<1x64xf32>
      %add3A_100 = vector.broadcast %get3A_99 : vector<1x64xf32> to vector<2048x64xf32>
      %add3A_101 = arith.addf %mul3A_96, %add3A_100 : vector<2048x64xf32>
      %get3A_102 = arith.constant 5 : index
      %get3A_103 = arith.constant 0 : index
      %get3A_104 = arith.constant 0 : index
      %get3A_105 = vector.load %arg2[%get3A_102, %get3A_103, %get3A_104] : memref<9x2048x64xf32, #tpu.memory_space<vmem>>, vector<1x2048x64xf32>
      %get3A_106 = vector.shape_cast %get3A_105 : vector<1x2048x64xf32> to vector<2048x64xf32>
      %get3A_107 = arith.constant 5 : index
      %get3A_108 = arith.constant 0 : index
      %get3A_109 = vector.load %arg13[%get3A_107, %get3A_108] : memref<9x64xf32, #tpu.memory_space<vmem>>, vector<1x64xf32>
      %mul3A_110 = vector.broadcast %get3A_109 : vector<1x64xf32> to vector<2048x64xf32>
      %mul3A_111 = arith.mulf %get3A_106, %mul3A_110 : vector<2048x64xf32>
      %get3A_112 = arith.constant 5 : index
      %get3A_113 = arith.constant 0 : index
      %get3A_114 = vector.load %arg14[%get3A_112, %get3A_113] : memref<9x64xf32, #tpu.memory_space<vmem>>, vector<1x64xf32>
      %add3A_115 = vector.broadcast %get3A_114 : vector<1x64xf32> to vector<2048x64xf32>
      %add3A_116 = arith.addf %mul3A_111, %add3A_115 : vector<2048x64xf32>
      %get3A_117 = arith.constant 6 : index
      %get3A_118 = arith.constant 0 : index
      %get3A_119 = arith.constant 0 : index
      %get3A_120 = vector.load %arg2[%get3A_117, %get3A_118, %get3A_119] : memref<9x2048x64xf32, #tpu.memory_space<vmem>>, vector<1x2048x64xf32>
      %get3A_121 = vector.shape_cast %get3A_120 : vector<1x2048x64xf32> to vector<2048x64xf32>
      %get3A_122 = arith.constant 6 : index
      %get3A_123 = arith.constant 0 : index
      %get3A_124 = vector.load %arg13[%get3A_122, %get3A_123] : memref<9x64xf32, #tpu.memory_space<vmem>>, vector<1x64xf32>
      %mul3A_125 = vector.broadcast %get3A_124 : vector<1x64xf32> to vector<2048x64xf32>
      %mul3A_126 = arith.mulf %get3A_121, %mul3A_125 : vector<2048x64xf32>
      %get3A_127 = arith.constant 6 : index
      %get3A_128 = arith.constant 0 : index
      %get3A_129 = vector.load %arg14[%get3A_127, %get3A_128] : memref<9x64xf32, #tpu.memory_space<vmem>>, vector<1x64xf32>
      %add3A_130 = vector.broadcast %get3A_129 : vector<1x64xf32> to vector<2048x64xf32>
      %add3A_131 = arith.addf %mul3A_126, %add3A_130 : vector<2048x64xf32>
      %get3A_132 = arith.constant 7 : index
      %get3A_133 = arith.constant 0 : index
      %get3A_134 = arith.constant 0 : index
      %get3A_135 = vector.load %arg2[%get3A_132, %get3A_133, %get3A_134] : memref<9x2048x64xf32, #tpu.memory_space<vmem>>, vector<1x2048x64xf32>
      %get3A_136 = vector.shape_cast %get3A_135 : vector<1x2048x64xf32> to vector<2048x64xf32>
      %get3A_137 = arith.constant 7 : index
      %get3A_138 = arith.constant 0 : index
      %get3A_139 = vector.load %arg13[%get3A_137, %get3A_138] : memref<9x64xf32, #tpu.memory_space<vmem>>, vector<1x64xf32>
      %mul3A_140 = vector.broadcast %get3A_139 : vector<1x64xf32> to vector<2048x64xf32>
      %mul3A_141 = arith.mulf %get3A_136, %mul3A_140 : vector<2048x64xf32>
      %get3A_142 = arith.constant 7 : index
      %get3A_143 = arith.constant 0 : index
      %get3A_144 = vector.load %arg14[%get3A_142, %get3A_143] : memref<9x64xf32, #tpu.memory_space<vmem>>, vector<1x64xf32>
      %add3A_145 = vector.broadcast %get3A_144 : vector<1x64xf32> to vector<2048x64xf32>
      %add3A_146 = arith.addf %mul3A_141, %add3A_145 : vector<2048x64xf32>
      %get3A_147 = arith.constant 8 : index
      %get3A_148 = arith.constant 0 : index
      %get3A_149 = arith.constant 0 : index
      %get3A_150 = vector.load %arg2[%get3A_147, %get3A_148, %get3A_149] : memref<9x2048x64xf32, #tpu.memory_space<vmem>>, vector<1x2048x64xf32>
      %get3A_151 = vector.shape_cast %get3A_150 : vector<1x2048x64xf32> to vector<2048x64xf32>
      %get3A_152 = arith.constant 8 : index
      %get3A_153 = arith.constant 0 : index
      %get3A_154 = vector.load %arg13[%get3A_152, %get3A_153] : memref<9x64xf32, #tpu.memory_space<vmem>>, vector<1x64xf32>
      %mul3A_155 = vector.broadcast %get3A_154 : vector<1x64xf32> to vector<2048x64xf32>
      %mul3A_156 = arith.mulf %get3A_151, %mul3A_155 : vector<2048x64xf32>
      %get3A_157 = arith.constant 8 : index
      %get3A_158 = arith.constant 0 : index
      %get3A_159 = vector.load %arg14[%get3A_157, %get3A_158] : memref<9x64xf32, #tpu.memory_space<vmem>>, vector<1x64xf32>
      %add3A_160 = vector.broadcast %get3A_159 : vector<1x64xf32> to vector<2048x64xf32>
      %add3A_161 = arith.addf %mul3A_156, %add3A_160 : vector<2048x64xf32>
      %get3A_162 = arith.constant 0 : index
      %get3A_163 = arith.constant 0 : index
      %get3A_164 = vector.load %arg3[%get3A_162, %get3A_163] : memref<8x2048xf32, #tpu.memory_space<vmem>>, vector<8x2048xf32>
      %bitcast_convert_type3A = tpu.bitcast %get3A_164 : vector<8x2048xf32> -> vector<8x2048xi32>
      %get3A_165 = arith.constant 0 : index
      %get3A_166 = arith.constant 0 : index
      %get3A_167 = vector.load %arg4[%get3A_165, %get3A_166] : memref<8x2048xi32, #tpu.memory_space<vmem>>, vector<8x2048xi32>
      %eq3A_168 = arith.constant 1 : i32
      %eq3A_169 = vector.broadcast %eq3A_168 : i32 to vector<8x2048xi32>
      %eq3A_170 = arith.cmpi eq, %get3A_167, %eq3A_169 : vector<8x2048xi32>
      %and3A_171 = arith.constant -65536 : i32
      %and3A_172 = vector.broadcast %and3A_171 : i32 to vector<8x2048xi32>
      %and3A_173 = arith.andi %bitcast_convert_type3A, %and3A_172 : vector<8x2048xi32>
      %shift_left3A = arith.constant 16 : i32
      %shift_left3A_174 = vector.broadcast %shift_left3A : i32 to vector<8x2048xi32>
      %shift_left3A_175 = arith.shli %bitcast_convert_type3A, %shift_left3A_174 : vector<8x2048xi32>
      %select_n3A = arith.select %eq3A_170, %and3A_173, %shift_left3A_175 : vector<8x2048xi1>, vector<8x2048xi32>
      %bitcast_convert_type3A_176 = tpu.bitcast %select_n3A : vector<8x2048xi32> -> vector<8x2048xf32>
      %abs3A = math.absf %bitcast_convert_type3A_176 : vector<8x2048xf32>
      %sub3A = arith.subf %add3A_41, %add3A_56 : vector<2048x64xf32>
      %mul3A_177 = arith.mulf %sub3A, %sub3A : vector<2048x64xf32>
      %reduce_sum3A = arith.constant dense<0.000000e+00> : vector<2048xf32>
      %reduce_sum3A_178 = vector.multi_reduction <add>, %mul3A_177, %reduce_sum3A [1] : vector<2048x64xf32> to vector<2048xf32>
      %sqrt3A = math.sqrt %reduce_sum3A_178 : vector<2048xf32>
      %slice3A = vector.extract_strided_slice %abs3A {offsets = [0, 0], sizes = [1, 2048], strides = [1, 1]} : vector<8x2048xf32> to vector<1x2048xf32>
      %squeeze3A = vector.shape_cast %slice3A : vector<1x2048xf32> to vector<2048xf32>
      %add3A_179 = arith.addf %sqrt3A, %squeeze3A : vector<2048xf32>
      %slice3A_180 = vector.extract_strided_slice %abs3A {offsets = [1, 0], sizes = [1, 2048], strides = [1, 1]} : vector<8x2048xf32> to vector<1x2048xf32>
      %squeeze3A_181 = vector.shape_cast %slice3A_180 : vector<1x2048xf32> to vector<2048xf32>
      %sub3A_182 = arith.subf %add3A_179, %squeeze3A_181 : vector<2048xf32>
      %sub3A_183 = arith.constant 1.000000e-01 : f32
      %sub3A_184 = vector.broadcast %sub3A_183 : f32 to vector<2048xf32>
      %sub3A_185 = arith.subf %sub3A_182, %sub3A_184 : vector<2048xf32>
      %max3A = arith.constant 0.000000e+00 : f32
      %max3A_186 = vector.broadcast %max3A : f32 to vector<2048xf32>
      %max3A_187 = arith.maximumf %sub3A_185, %max3A_186 : vector<2048xf32>
      %sub3A_188 = arith.subf %add3A_71, %add3A_86 : vector<2048x64xf32>
      %mul3A_189 = arith.mulf %sub3A_188, %sub3A_188 : vector<2048x64xf32>
      %reduce_sum3A_190 = arith.constant dense<0.000000e+00> : vector<2048xf32>
      %reduce_sum3A_191 = vector.multi_reduction <add>, %mul3A_189, %reduce_sum3A_190 [1] : vector<2048x64xf32> to vector<2048xf32>
      %sqrt3A_192 = math.sqrt %reduce_sum3A_191 : vector<2048xf32>
      %slice3A_193 = vector.extract_strided_slice %abs3A {offsets = [2, 0], sizes = [1, 2048], strides = [1, 1]} : vector<8x2048xf32> to vector<1x2048xf32>
      %squeeze3A_194 = vector.shape_cast %slice3A_193 : vector<1x2048xf32> to vector<2048xf32>
      %sub3A_195 = arith.subf %sqrt3A_192, %squeeze3A_194 : vector<2048xf32>
      %slice3A_196 = vector.extract_strided_slice %abs3A {offsets = [3, 0], sizes = [1, 2048], strides = [1, 1]} : vector<8x2048xf32> to vector<1x2048xf32>
      %squeeze3A_197 = vector.shape_cast %slice3A_196 : vector<1x2048xf32> to vector<2048xf32>
      %sub3A_198 = arith.subf %sub3A_195, %squeeze3A_197 : vector<2048xf32>
      %sub3A_199 = arith.constant 1.000000e-01 : f32
      %sub3A_200 = vector.broadcast %sub3A_199 : f32 to vector<2048xf32>
      %sub3A_201 = arith.subf %sub3A_198, %sub3A_200 : vector<2048xf32>
      %max3A_202 = arith.constant 0.000000e+00 : f32
      %max3A_203 = vector.broadcast %max3A_202 : f32 to vector<2048xf32>
      %max3A_204 = arith.maximumf %sub3A_201, %max3A_203 : vector<2048xf32>
      %sub3A_205 = arith.subf %add3A_101, %add3A_71 : vector<2048x64xf32>
      %mul3A_206 = arith.mulf %sub3A_205, %sub3A_205 : vector<2048x64xf32>
      %reduce_sum3A_207 = arith.constant dense<0.000000e+00> : vector<2048xf32>
      %reduce_sum3A_208 = vector.multi_reduction <add>, %mul3A_206, %reduce_sum3A_207 [1] : vector<2048x64xf32> to vector<2048xf32>
      %sqrt3A_209 = math.sqrt %reduce_sum3A_208 : vector<2048xf32>
      %slice3A_210 = vector.extract_strided_slice %abs3A {offsets = [2, 0], sizes = [1, 2048], strides = [1, 1]} : vector<8x2048xf32> to vector<1x2048xf32>
      %squeeze3A_211 = vector.shape_cast %slice3A_210 : vector<1x2048xf32> to vector<2048xf32>
      %sub3A_212 = arith.subf %sqrt3A_209, %squeeze3A_211 : vector<2048xf32>
      %sub3A_213 = arith.constant 1.000000e-01 : f32
      %sub3A_214 = vector.broadcast %sub3A_213 : f32 to vector<2048xf32>
      %sub3A_215 = arith.subf %sub3A_212, %sub3A_214 : vector<2048xf32>
      %max3A_216 = arith.constant 0.000000e+00 : f32
      %max3A_217 = vector.broadcast %max3A_216 : f32 to vector<2048xf32>
      %max3A_218 = arith.maximumf %sub3A_215, %max3A_217 : vector<2048xf32>
      %add3A_219 = arith.addf %max3A_204, %max3A_218 : vector<2048xf32>
      %sub3A_220 = arith.subf %add3A_101, %add3A_86 : vector<2048x64xf32>
      %mul3A_221 = arith.mulf %sub3A_220, %sub3A_220 : vector<2048x64xf32>
      %reduce_sum3A_222 = arith.constant dense<0.000000e+00> : vector<2048xf32>
      %reduce_sum3A_223 = vector.multi_reduction <add>, %mul3A_221, %reduce_sum3A_222 [1] : vector<2048x64xf32> to vector<2048xf32>
      %sqrt3A_224 = math.sqrt %reduce_sum3A_223 : vector<2048xf32>
      %slice3A_225 = vector.extract_strided_slice %abs3A {offsets = [3, 0], sizes = [1, 2048], strides = [1, 1]} : vector<8x2048xf32> to vector<1x2048xf32>
      %squeeze3A_226 = vector.shape_cast %slice3A_225 : vector<1x2048xf32> to vector<2048xf32>
      %sub3A_227 = arith.subf %sqrt3A_224, %squeeze3A_226 : vector<2048xf32>
      %sub3A_228 = arith.constant 1.000000e-01 : f32
      %sub3A_229 = vector.broadcast %sub3A_228 : f32 to vector<2048xf32>
      %sub3A_230 = arith.subf %sub3A_227, %sub3A_229 : vector<2048xf32>
      %max3A_231 = arith.constant 0.000000e+00 : f32
      %max3A_232 = vector.broadcast %max3A_231 : f32 to vector<2048xf32>
      %max3A_233 = arith.maximumf %sub3A_230, %max3A_232 : vector<2048xf32>
      %add3A_234 = arith.addf %add3A_219, %max3A_233 : vector<2048xf32>
      %iota3A = tpu.iota {dimensions = array<i32: 1>} : vector<1x16xi32>
      %get3A_235 = arith.constant 0 : index
      %get3A_236 = arith.constant 0 : index
      %get3A_237 = vector.load %arg6[%get3A_235, %get3A_236] : memref<2048x1xi32, #tpu.memory_space<vmem>>, vector<2048x1xi32>
      %eq3A_238 = vector.broadcast %get3A_237 : vector<2048x1xi32> to vector<2048x16xi32>
      %eq3A_239 = vector.broadcast %iota3A : vector<1x16xi32> to vector<2048x16xi32>
      %eq3A_240 = arith.cmpi eq, %eq3A_238, %eq3A_239 : vector<2048x16xi32>
      %convert_element_type3A_241 = arith.extui %eq3A_240 : vector<2048x16xi1> to vector<2048x16xi32>
      %convert_element_type3A_242 = arith.sitofp %convert_element_type3A_241 : vector<2048x16xi32> to vector<2048x16xf32>
      %get3A_243 = arith.constant 0 : index
      %get3A_244 = arith.constant 0 : index
      %get3A_245 = vector.load %arg5[%get3A_243, %get3A_244] : memref<16x64xf32, #tpu.memory_space<vmem>>, vector<16x64xf32>
      %dot_general3A = arith.constant dense<0.000000e+00> : vector<2048x64xf32>
      %dot_general3A_246 = tpu.matmul %convert_element_type3A_242, %get3A_245, %dot_general3A {dimension_numbers = #tpu.dot_dimension_numbers<[1], [0], [0], [1], [0, 0, 1, 1], [], []>, transpose_lhs_hint = false} : vector<2048x16xf32>, vector<16x64xf32>, vector<2048x64xf32> -> vector<2048x64xf32>
      %add3A_247 = arith.addf %add3A_116, %dot_general3A_246 : vector<2048x64xf32>
      %sub3A_248 = arith.subf %add3A_247, %add3A_131 : vector<2048x64xf32>
      %mul3A_249 = arith.mulf %sub3A_248, %sub3A_248 : vector<2048x64xf32>
      %reduce_sum3A_250 = arith.constant dense<0.000000e+00> : vector<2048xf32>
      %reduce_sum3A_251 = vector.multi_reduction <add>, %mul3A_249, %reduce_sum3A_250 [1] : vector<2048x64xf32> to vector<2048xf32>
      %sqrt3A_252 = math.sqrt %reduce_sum3A_251 : vector<2048xf32>
      %slice3A_253 = vector.extract_strided_slice %abs3A {offsets = [4, 0], sizes = [1, 2048], strides = [1, 1]} : vector<8x2048xf32> to vector<1x2048xf32>
      %squeeze3A_254 = vector.shape_cast %slice3A_253 : vector<1x2048xf32> to vector<2048xf32>
      %add3A_255 = arith.addf %sqrt3A_252, %squeeze3A_254 : vector<2048xf32>
      %slice3A_256 = vector.extract_strided_slice %abs3A {offsets = [5, 0], sizes = [1, 2048], strides = [1, 1]} : vector<8x2048xf32> to vector<1x2048xf32>
      %squeeze3A_257 = vector.shape_cast %slice3A_256 : vector<1x2048xf32> to vector<2048xf32>
      %sub3A_258 = arith.subf %add3A_255, %squeeze3A_257 : vector<2048xf32>
      %sub3A_259 = arith.constant 1.000000e-01 : f32
      %sub3A_260 = vector.broadcast %sub3A_259 : f32 to vector<2048xf32>
      %sub3A_261 = arith.subf %sub3A_258, %sub3A_260 : vector<2048xf32>
      %max3A_262 = arith.constant 0.000000e+00 : f32
      %max3A_263 = vector.broadcast %max3A_262 : f32 to vector<2048xf32>
      %max3A_264 = arith.maximumf %sub3A_261, %max3A_263 : vector<2048xf32>
      %slice3A_265 = vector.extract_strided_slice %abs3A {offsets = [4, 0], sizes = [1, 2048], strides = [1, 1]} : vector<8x2048xf32> to vector<1x2048xf32>
      %squeeze3A_266 = vector.shape_cast %slice3A_265 : vector<1x2048xf32> to vector<2048xf32>
      %slice3A_267 = vector.extract_strided_slice %abs3A {offsets = [5, 0], sizes = [1, 2048], strides = [1, 1]} : vector<8x2048xf32> to vector<1x2048xf32>
      %squeeze3A_268 = vector.shape_cast %slice3A_267 : vector<1x2048xf32> to vector<2048xf32>
      %add3A_269 = arith.addf %squeeze3A_266, %squeeze3A_268 : vector<2048xf32>
      %sub3A_270 = arith.subf %add3A_269, %sqrt3A_252 : vector<2048xf32>
      %add3A_271 = arith.constant 1.000000e-01 : f32
      %add3A_272 = vector.broadcast %add3A_271 : f32 to vector<2048xf32>
      %add3A_273 = arith.addf %sub3A_270, %add3A_272 : vector<2048xf32>
      %max3A_274 = arith.constant 0.000000e+00 : f32
      %max3A_275 = vector.broadcast %max3A_274 : f32 to vector<2048xf32>
      %max3A_276 = arith.maximumf %add3A_273, %max3A_275 : vector<2048xf32>
      %get3A_277 = arith.constant 0 : index
      %get3A_278 = arith.constant 0 : index
      %get3A_279 = vector.load %arg7[%get3A_277, %get3A_278] : memref<2048x1xi32, #tpu.memory_space<vmem>>, vector<2048x1xi32>
      %eq3A_280 = vector.broadcast %get3A_279 : vector<2048x1xi32> to vector<2048x16xi32>
      %eq3A_281 = vector.broadcast %iota3A : vector<1x16xi32> to vector<2048x16xi32>
      %eq3A_282 = arith.cmpi eq, %eq3A_280, %eq3A_281 : vector<2048x16xi32>
      %convert_element_type3A_283 = arith.extui %eq3A_282 : vector<2048x16xi1> to vector<2048x16xi32>
      %convert_element_type3A_284 = arith.sitofp %convert_element_type3A_283 : vector<2048x16xi32> to vector<2048x16xf32>
      %get3A_285 = arith.constant 0 : index
      %get3A_286 = arith.constant 0 : index
      %get3A_287 = vector.load %arg5[%get3A_285, %get3A_286] : memref<16x64xf32, #tpu.memory_space<vmem>>, vector<16x64xf32>
      %dot_general3A_288 = arith.constant dense<0.000000e+00> : vector<2048x64xf32>
      %dot_general3A_289 = tpu.matmul %convert_element_type3A_284, %get3A_287, %dot_general3A_288 {dimension_numbers = #tpu.dot_dimension_numbers<[1], [0], [0], [1], [0, 0, 1, 1], [], []>, transpose_lhs_hint = false} : vector<2048x16xf32>, vector<16x64xf32>, vector<2048x64xf32> -> vector<2048x64xf32>
      %sub3A_290 = arith.subf %add3A_146, %dot_general3A_289 : vector<2048x64xf32>
      %sub3A_291 = arith.subf %sub3A_290, %add3A_161 : vector<2048x64xf32>
      %mul3A_292 = arith.mulf %sub3A_291, %sub3A_291 : vector<2048x64xf32>
      %reduce_sum3A_293 = arith.constant dense<0.000000e+00> : vector<2048xf32>
      %reduce_sum3A_294 = vector.multi_reduction <add>, %mul3A_292, %reduce_sum3A_293 [1] : vector<2048x64xf32> to vector<2048xf32>
      %sqrt3A_295 = math.sqrt %reduce_sum3A_294 : vector<2048xf32>
      %slice3A_296 = vector.extract_strided_slice %abs3A {offsets = [6, 0], sizes = [1, 2048], strides = [1, 1]} : vector<8x2048xf32> to vector<1x2048xf32>
      %squeeze3A_297 = vector.shape_cast %slice3A_296 : vector<1x2048xf32> to vector<2048xf32>
      %sub3A_298 = arith.subf %sqrt3A_295, %squeeze3A_297 : vector<2048xf32>
      %slice3A_299 = vector.extract_strided_slice %abs3A {offsets = [7, 0], sizes = [1, 2048], strides = [1, 1]} : vector<8x2048xf32> to vector<1x2048xf32>
      %squeeze3A_300 = vector.shape_cast %slice3A_299 : vector<1x2048xf32> to vector<2048xf32>
      %sub3A_301 = arith.subf %sub3A_298, %squeeze3A_300 : vector<2048xf32>
      %sub3A_302 = arith.constant 1.000000e-01 : f32
      %sub3A_303 = vector.broadcast %sub3A_302 : f32 to vector<2048xf32>
      %sub3A_304 = arith.subf %sub3A_301, %sub3A_303 : vector<2048xf32>
      %max3A_305 = arith.constant 0.000000e+00 : f32
      %max3A_306 = vector.broadcast %max3A_305 : f32 to vector<2048xf32>
      %max3A_307 = arith.maximumf %sub3A_304, %max3A_306 : vector<2048xf32>
      %get3A_308 = arith.constant 0 : index
      %get3A_309 = arith.constant 0 : index
      %get3A_310 = memref.load %arg15[%get3A_308, %get3A_309] : memref<1x1xf32, #tpu.memory_space<smem>>
      %add3A_311 = arith.addf %max3A_187, %add3A_234 : vector<2048xf32>
      %add3A_312 = arith.addf %add3A_311, %max3A_264 : vector<2048xf32>
      %add3A_313 = arith.addf %add3A_312, %max3A_276 : vector<2048xf32>
      %add3A_314 = arith.addf %add3A_313, %max3A_307 : vector<2048xf32>
      %reduce_sum3A_315 = vector.shape_cast %add3A_314 : vector<2048xf32> to vector<1x2048xf32>
      %reduce_sum3A_316 = arith.constant dense<0.000000e+00> : vector<1xf32>
      %reduce_sum3A_317 = vector.multi_reduction <add>, %reduce_sum3A_315, %reduce_sum3A_316 [1] : vector<1x2048xf32> to vector<1xf32>
      %reduce_sum3A_318 = vector.shape_cast %reduce_sum3A_317 : vector<1xf32> to vector<1x1xf32>
      %reduce_sum3A_319 = vector.extract %reduce_sum3A_318[0, 0] : f32 from vector<1x1xf32>
      %add3A_320 = arith.addf %get3A_310, %reduce_sum3A_319 : f32
      %swap3A = arith.constant 0 : index
      %swap3A_321 = arith.constant 0 : index
      %swap3A_322 = memref.load %arg15[%swap3A, %swap3A_321] : memref<1x1xf32, #tpu.memory_space<smem>>
      memref.store %add3A_320, %arg15[%swap3A, %swap3A_321] : memref<1x1xf32, #tpu.memory_space<smem>>
    } else {
    }
    %eq3A_22 = arith.constant 1 : i32
    %eq3A_23 = arith.cmpi eq, %arg0, %eq3A_22 : i32
    %eq3A_24 = arith.constant 7 : i32
    %eq3A_25 = arith.cmpi eq, %arg1, %eq3A_24 : i32
    %and3A_26 = arith.andi %eq3A_23, %eq3A_25 : i1
    %convert_element_type3A_27 = arith.extui %and3A_26 : i1 to i32
    %cond3A_28 = arith.constant 0 : i32
    %cond3A_29 = arith.cmpi ne, %convert_element_type3A_27, %cond3A_28 : i32
    scf.if %cond3A_29 {
      %get3A = arith.constant 0 : index
      %get3A_30 = arith.constant 0 : index
      %get3A_31 = memref.load %arg15[%get3A, %get3A_30] : memref<1x1xf32, #tpu.memory_space<smem>>
      %mul3A = arith.constant 6.10351563E-5 : f32
      %mul3A_32 = arith.mulf %get3A_31, %mul3A : f32
      %broadcast_in_dim3A = vector.broadcast %mul3A_32 : f32 to vector<1x1xf32>
      %swap3A = arith.constant 0 : index
      %swap3A_33 = arith.constant 0 : index
      %swap3A_34 = vector.load %arg10[%swap3A, %swap3A_33] : memref<1x1xf32, #tpu.memory_space<vmem>>, vector<1x1xf32>
      tpu.vector_store %arg10[%swap3A, %swap3A_33], %broadcast_in_dim3A {strides = array<i32>} : memref<1x1xf32, #tpu.memory_space<vmem>>, vector<1x1xf32>,
    } else {
    }
    return
  }
  func.func @transform_0(%arg0: i32, %arg1: i32) -> (i32, i32, i32) {
    %c0_i32 = arith.constant 0 : i32
    %c0_i32_0 = arith.constant 0 : i32
    %c0_i32_1 = arith.constant 0 : i32
    return %c0_i32, %arg1, %c0_i32_0 : i32, i32, i32
  }
  func.func @transform_1(%arg0: i32, %arg1: i32) -> (i32, i32) {
    %c0_i32 = arith.constant 0 : i32
    %c0_i32_0 = arith.constant 0 : i32
    return %c0_i32, %arg1 : i32, i32
  }
  func.func @transform_2(%arg0: i32, %arg1: i32) -> (i32, i32) {
    %c0_i32 = arith.constant 0 : i32
    %c0_i32_0 = arith.constant 0 : i32
    return %c0_i32, %arg1 : i32, i32
  }
  func.func @transform_3(%arg0: i32, %arg1: i32) -> (i32, i32) {
    %c0_i32 = arith.constant 0 : i32
    %c0_i32_0 = arith.constant 0 : i32
    %c0_i32_1 = arith.constant 0 : i32
    return %c0_i32, %c0_i32_0 : i32, i32
  }
  func.func @transform_4(%arg0: i32, %arg1: i32) -> (i32, i32) {
    %c0_i32 = arith.constant 0 : i32
    %c0_i32_0 = arith.constant 0 : i32
    return %arg1, %c0_i32 : i32, i32
  }
  func.func @transform_5(%arg0: i32, %arg1: i32) -> (i32, i32) {
    %c0_i32 = arith.constant 0 : i32
    %c0_i32_0 = arith.constant 0 : i32
    return %arg1, %c0_i32 : i32, i32
  }
  func.func @transform_6(%arg0: i32, %arg1: i32) -> (i32, i32) {
    %c0_i32 = arith.constant 0 : i32
    %c0_i32_0 = arith.constant 0 : i32
    %c0_i32_1 = arith.constant 0 : i32
    return %c0_i32, %c0_i32_0 : i32, i32
  }
  func.func @transform_7(%arg0: i32, %arg1: i32) -> (i32, i32) {
    %c0_i32 = arith.constant 0 : i32
    %c0_i32_0 = arith.constant 0 : i32
    %c0_i32_1 = arith.constant 0 : i32
    return %c0_i32, %c0_i32_0 : i32, i32
  }
  func.func @transform_8(%arg0: i32, %arg1: i32) -> (i32, i32) {
    %c0_i32 = arith.constant 0 : i32
    %c0_i32_0 = arith.constant 0 : i32
    %c0_i32_1 = arith.constant 0 : i32
    return %c0_i32, %c0_i32_0 : i32, i32
  }
}

</mosaic_0001>

<sc_bundles>
// kernel: kernel.4.cloned.1.call-start
scs
__scs_entry_jumppad:
0x0: {  	(pc) =	sbr.rel $0x88, $3  }
0x1: {  	(tag) =	ssettag $0x0;
	lr =	simm.s32 $0x1  }
0x2: {  	[smem:$0x3F98] =	sst lr;
	_ =	strace $0xD0000000  }
0x3: {  	_ = 	snop  }
0x4: {  	_ = 	snop  }
0x5: {  	_ = 	snop  }
0x6: {  	_ = 	snop  }
0x7: {  	_ = 	snop  }
__scs_overlays_trampoline_lowered:
0x8: {  	[smem:$0x3FA7] =	sst s0  }
0x9: {  	[smem:$0x3FA8] =	sst s1  }
0xa: {  	[smem:$0x3FA9] =	sst s2  }
0xb: {  	[smem:$0x3FAA] =	sst s3  }
0xc: {  	[smem:$0x3FAB] =	sst s4  }
0xd: {  	[smem:$0x3FAC] =	sst s5  }
0xe: {  	[smem:$0x3FAD] =	sst s6  }
0xf: {  	[smem:$0x3FAE] =	sst s7  }
0x10: {  	[smem:$0x3FAF] =	sst s8  }
0x11: {  	[smem:$0x3FB0] =	sst s9;
	s0 =	simm.s32 @!p0 $0x0  }
0x12: {  	s1 =	sld [smem:$0x3F96];
	s0 =	simm.s32 @p0 $0x1  }
0x13: {  	[smem:$0x3FB1] =	sst s0;
	s0 =	simm.s32 @!p1 $0x0  }
0x14: {  	s2 =	sld [smem:$0x3F95];
	s0 =	simm.s32 @p1 $0x1  }
0x15: {  	[smem:$0x3FB2] =	sst s0;
	s0 =	simm.s32 @!p2 $0x0  }
0x16: {  	s3 =	sld [smem:$0x3FDB];
	s0 =	simm.s32 @p2 $0x1  }
0x17: {  	s4 =	simm.s32 $0x1BF5;
	[smem:$0x3FB4] =	sst s0  }
0x18: {  	s0 =	sld [smem:$0x3F97];
	_ =	swait.ge [sflag:s4], $0x0  }
0x19: {  	s7 =	sld [smem:$0x3F98]  }
0x1a: {  	s8 =	sadd.s32 $0xFFFFE003, lr  }
0x1b: {  	s9 =	sadd.s32 $0xFFFFFEF7, lr;
	s5 =	simm.s32 $0xFFFFFFFF;
	p2 =	slt.u32 s8, $0xFFFFF086  }
0x1c: {  	p1 =	slt.u32 s9, $0xF7A;
	s5 =	simm.s32 @!p2 $0x0  }
0x1d: {  	s5 =	simm.s32 @p1 $0x1;
	p0 =	seq.s32 s7, s2  }
0x1e: {  	s7 =	smul.u32 @!p0 $0xF7A, s2;
	p2 =	seq.s32 @!p0 s5, $0x0  }
0x1f: {  	s9 =	smul.u32 $0xF7A, s1;
	s8 =	simm.s32 @!p0 $0x1BF5;
	p2 =	por !p2, p0  }
0x20: {  	[sflag:s8] =	ssyncset.s32 @!p0 $0xFFFFF086;
	s6 =	sadd.s32 @!p0 s3, s7;
	s7 =	simm.s32 @!p0 $0x108  }
0x21: {  	s3 =	sadd.s32 s3, s9;
	s6 =	sadd.s32 @!p0 $0x88, s6;
	s7 =	simm.s32 @p2 $0x1082  }
0x22: {  	[simem:s7], [sflag:s8] =	dma.local @!p0 [hbm:s6], $0xF7A  }
0x23: {  	s9 =	sor.u32 $0xD0000000, s2;
	s6 =	simm.s32 $0x108;
	_ =	swait.ge @!p0 [sflag:s8], $0x0  }
0x24: {  	s3 =	sadd.s32 $0x88, s3;
	s6 =	simm.s32 @!p1 $0x1082;
	[sflag:s4] =	ssyncset.s32 $0xFFFFF086  }
0x25: {  	[simem:s6], [sflag:s4] =	dma.local [hbm:s3], $0xF7A  }
0x26: {  	[smem:$0x3F98] =	sst s1;
	(tag) =	ssettag s2;
	_ =	strace s9  }
0x27: {  	s1 =	sld [smem:$0x3FA8]  }
0x28: {  	s2 =	sld [smem:$0x3FA9]  }
0x29: {  	s4 =	sld [smem:$0x3FAB]  }
0x2a: {  	p0 =	seq.s32 s5, $0x0;
	s5 =	sld [smem:$0x3FAC]  }
0x2b: {  	s6 =	sld [smem:$0x3FAD]  }
0x2c: {  	s7 =	sld [smem:$0x3FAE]  }
0x2d: {  	s3 =	simm.s32 $0x108;
	s8 =	sld [smem:$0x3FAF]  }
0x2e: {  	s3 =	simm.s32 @!p0 $0x1082;
	s9 =	sld [smem:$0x3FB0]  }
0x2f: {  	lr =	sadd.s32 s0, s3;
	s0 =	sld [smem:$0x3FA7]  }
0x30: {  	s3 =	sld [smem:$0x3FAA]  }
0x31: {  	[smem:$0x3FB3] =	sst s10  }
0x32: {  	s10 =	sld [smem:$0x3FB1];
	_ =	sdelay $0x3  }
0x33: {  	p0 =	seq.s32 s10, $0x1;
	s10 =	sld [smem:$0x3FB3];
	_ =	sdelay $0x3  }
0x34: {  	[smem:$0x3FB3] =	sst s10  }
0x35: {  	s10 =	sld [smem:$0x3FB2];
	_ =	sdelay $0x3  }
0x36: {  	p1 =	seq.s32 s10, $0x1;
	s10 =	sld [smem:$0x3FB3];
	_ =	sdelay $0x3  }
0x37: {  	[smem:$0x3FB3] =	sst s10  }
0x38: {  	s10 =	sld [smem:$0x3FB4]  }
0x39: {  	_ = 	snop;
	(pc) =	sbr.ind lr, $3  }
0x3a: {  	_ = 	snop  }
0x3b: {  	_ = 	snop  }
0x3c: {  	p2 =	seq.s32 s10, $0x1;
	s10 =	sld [smem:$0x3FB3]  }
0x3d: {  	_ =	shalt  }
0x3e: {  	_ =	shalt  }
0x3f: {  	_ =	shalt  }
0x40: {  	_ =	shalt  }
0x41: {  	_ =	shalt  }
0x42: {  	_ =	shalt  }
0x43: {  	_ =	shalt  }
0x44: {  	_ =	shalt  }
0x45: {  	_ =	shalt  }
0x46: {  	_ =	shalt  }
0x47: {  	_ =	shalt  }
0x48: {  	_ =	shalt  }
0x49: {  	_ =	shalt  }
0x4a: {  	_ =	shalt  }
0x4b: {  	_ =	shalt  }
0x4c: {  	_ =	shalt  }
0x4d: {  	_ =	shalt  }
0x4e: {  	_ =	shalt  }
0x4f: {  	_ =	shalt  }
0x50: {  	_ =	shalt  }
0x51: {  	_ =	shalt  }
0x52: {  	_ =	shalt  }
0x53: {  	_ =	shalt  }
0x54: {  	_ =	shalt  }
0x55: {  	_ =	shalt  }
0x56: {  	_ =	shalt  }
0x57: {  	_ =	shalt  }
0x58: {  	_ =	shalt  }
0x59: {  	_ =	shalt  }
0x5a: {  	_ =	shalt  }
0x5b: {  	_ =	shalt  }
0x5c: {  	_ =	shalt  }
0x5d: {  	_ =	shalt  }
0x5e: {  	_ =	shalt  }
0x5f: {  	_ =	shalt  }
0x60: {  	_ =	shalt  }
0x61: {  	_ =	shalt  }
0x62: {  	_ =	shalt  }
0x63: {  	_ =	shalt  }
0x64: {  	_ =	shalt  }
0x65: {  	_ =	shalt  }
0x66: {  	_ =	shalt  }
0x67: {  	_ =	shalt  }
0x68: {  	_ =	shalt  }
0x69: {  	_ =	shalt  }
0x6a: {  	_ =	shalt  }
0x6b: {  	_ =	shalt  }
0x6c: {  	_ =	shalt  }
0x6d: {  	_ =	shalt  }
0x6e: {  	_ =	shalt  }
0x6f: {  	_ =	shalt  }
0x70: {  	_ =	shalt  }
0x71: {  	_ =	shalt  }
0x72: {  	_ =	shalt  }
0x73: {  	_ =	shalt  }
0x74: {  	_ =	shalt  }
0x75: {  	_ =	shalt  }
0x76: {  	_ =	shalt  }
0x77: {  	_ =	shalt  }
0x78: {  	_ =	shalt  }
0x79: {  	_ =	shalt  }
0x7a: {  	_ =	shalt  }
0x7b: {  	_ =	shalt  }
0x7c: {  	_ =	shalt  }
0x7d: {  	_ =	shalt  }
0x7e: {  	_ =	shalt  }
0x7f: {  	_ =	shalt  }
0x80: {  	_ =	shalt  }
0x81: {  	_ =	shalt  }
0x82: {  	_ =	shalt  }
0x83: {  	_ =	shalt  }
0x84: {  	_ =	shalt  }
0x85: {  	_ =	shalt  }
0x86: {  	_ =	shalt  }
0x87: {  	_ =	shalt  }
.Lfunc_end0:
.L_simem_size_0:
called_computation_lowered:
.L_overlay_start_0:
0x88: {  	s2 =	sld [smem:$0x3FD9]  }
0x89: {  	s3 =	sld [smem:$0x3FFE];
	_ =	sdelay $0x1  }
0x8a: {  	s1 =	srdreg.scid  }
0x8b: {  	s0 =	sand.u32 $0x1, s1  }
0x8c: {  	s16 =	sshll.u32 s0, $0xA;
	s2 =	sadd.s32 s3, s2  }
0x8d: {  	s2 =	sadd.s32 s2, s16  }
0x8e: {  	[smem:$0x3FBF] =	sst s2  }
0x8f: {  	_ = 	snop  }
0x90: {  	(tm) =	ssettm $0x1  }
0x91: {  	s17 =	sld [smem:$0x3FFB];
	_ =	sdelay $0x3  }
0x92: {  	_ =	strace s17  }
0x93: {  	s2 =	sld [smem:$0x3FFC];
	_ =	sdelay $0x3  }
0x94: {  	_ =	strace s2  }
0x95: {  	s2 =	sld [smem:$0x3FFD];
	_ =	sdelay $0x3  }
0x96: {  	_ =	strace s2  }
0x97: {  	_ =	strace $0x8FFFFFFF  }
0x98: {  	s18 =	sld [smem:$0x3FDB];
	_ =	sdelay $0x1  }
0x99: {  	s19 =	simm.s32 $_scs_section_size  }
0x9a: {  	s4 =	simm.s32 $_size__tile_overlayer_lowered;
	s5 =	simm.s32 $_tile_overlayer_lowered  }
0x9b: {  	s22 =	simm.s32 $0x1BFF;
	s21 =	sshll.u32 s5, $0x1;
	s2 =	sadd.s32 s19, s18  }
0x9c: {  	s6 =	simm.s32 $0x0;
	s20 =	sshll.u32 s4, $0x1;
	s4 =	sadd.s32 s21, s2  }
0x9d: {  	[timem:s6], [sflag:s22] =	dma.local [hbm:s4], s20  }
0x9e: {  	_ =	swait.ge [sflag:s22], s20  }
0x9f: {  	s3 =	ssub.s32 $0x0, s20;
	[sflag:s22] =	ssyncset.done $0x0  }
0xa0: {  	[sflag:s22] =	ssyncadd.s32 s3;
	_ =	sdelay $0x1  }
0xa1: {  	s23 =	simm.s32 $0x1B8B  }
0xa2: {  	_ =	swait.ge [sflag:s23], $0x1  }
0xa3: {  	[sflag:s23] =	ssyncset.done $0x0  }
0xa4: {  	s25 =	simm.s32 $0x1B8E;
	s24 =	sld [smem:$0x3FFE];
	[sflag:s23] =	ssyncadd.s32 $0xFFFFFFFF  }
0xa5: {  	s26 =	simm.s32 $execute0_lowered;
	[smem:$0x3FD2] =	sst s25  }
0xa6: {  	s4 =	sshll.u32 s26, $0x1;
	_ =	strace $0x80000046;
	[dreg:$0x1] =	wrdreg $0xFFFFFFFF  }
0xa7: {  	s28 =	simm.s32 $_size_execute0_lowered;
	s2 =	sadd.s32 s2, s4;
	[dreg:$0x0] =	wrdreg $0x0  }
0xa8: {  	s4 =	sshll.u32 s28, $0x1;
	[dreg:$0x2] =	wrdreg s2  }
0xa9: {  	[dreg:$0x3] =	wrdreg s4  }
0xaa: {  	[dreg:$0x4] =	wrdreg $0xC0  }
0xab: {  	_ =	task [dreg:s6], $0x5FFFF  }
0xac: {  	[dreg:$0x1] =	wrdreg $0xFFFFFFFF  }
0xad: {  	[dreg:$0x0] =	wrdreg $0x60  }
0xae: {  	[dreg:$0x2] =	wrdreg s24  }
0xaf: {  	[dreg:$0x3] =	wrdreg $0x16A000  }
0xb0: {  	[dreg:$0x4] =	wrdreg $0x9  }
0xb1: {  	_ =	task.clear_ibuf [dreg:s6], $0x5FFFF;
	_ =	strace $0x90000046  }
0xb2: {  	s29 =	simm.s32 $0x9;
	_ =	strace $0x80000048  }
0xb3: {  	_ =	swait.ge [sflag:s29], $0x1  }
0xb4: {  	[sflag:s29] =	ssyncadd.s32 $0xFFFFFFFF  }
0xb5: {  	_ =	strace $0x90000048  }
0xb6: {  	_ =	sfence  }
0xb7: {  	s30 =	sld [smem:$0x0];
	_ =	sdelay $0x2  }
0xb8: {  	s31 =	sshll.u32 s1, $0xD;
	s1 =	sshrl.u32 s1, $0x2  }
0xb9: {  	s3 =	sand.u32 $0x4000, s31;
	s1 =	sadd.s32 s1, s30  }
0xba: {  	s0 =	sor.u32 s3, s0;
	s1 =	sshll.u32 s1, $0x11  }
0xbb: {  	s0 =	sor.u32 s1, s0  }
0xbc: {  	s0 =	sadd.s32 $0x8F2B, s0  }
0xbd: {  	[sflag:s0] =	ssyncadd.remote.s32 $0x1  }
0xbe: {  	_ =	sfence.sel $0xFFFF  }
0xbf: {  	[dreg:$0x0] =	wrdreg $0xFFFFFFFF;
	(pc) =	sbr.abs _section_cstart, $3  }
0xc0: {  	[dreg:$0x1] =	wrdreg $0xFFFFFFFF  }
0xc1: {  	_ =	task.clear_ibuf [dreg:s6], $0x2FFFF;
	_ =	strace $0x9FFFFFFF  }
0xc2: {  	(tm) =	ssettm $0x7FFFFFFF  }
0xc3: {  	_ =	shalt  }
tec
execute0_lowered:
.L_overlay_start_1:
0x0: {  	(tag) =	ssettag $0x1  }
0x1: {  	s0 =	rddreg [dreg:$0x0]  }
0x2: {  	s1 =	srdreg.scid;
	s15 =	stileid.u32  }
0x3: {  	s2 =	rddreg [dreg:$0x1];
	s3 =	simm.s32 $0x0;
	s17 =	simm.s32 $0x2200  }
0x4: {  	s28 =	simm.s32 $0x8A00;
	s29 =	simm.s32 $0x8E00;
	s30 =	simm.s32 $0x9200  }
0x5: {  	s31 =	simm.s32 $0x9600;
	s16 =	simm.s32 $0x1;
	s18 =	simm.s32 $0x2  }
0x6: {  	s19 =	simm.s32 $0xE200;
	s20 =	simm.s32 $0xE630;
	s1 =	sand.u32 $0x1, s1  }
0x7: {  	s4 =	sshll.u32 s15, $0x1;
	[smem:$0x7FF] =	sst s3;
	s10 =	sadd.s32 $0x1D800, s0  }
0x8: {  	s12 =	smul.u32 $0x2400, s15;
	s13 =	sshll.u32 s15, $0xC;
	s14 =	sshll.u32 s15, $0xF  }
0x9: {  	s24 =	smul.u32 $0x12000, s15;
	s15 =	simm.s32 $0x3;
	_ =	strace $0x80000047  }
0xa: {  	s6 =	sor.u32 s1, s4;
	s4 =	sadd.s32 $0xF42400, s0;
	s21 =	smul.u32 $0x1200, s1  }
0xb: {  	s9 =	ssub.s32 $0x2, s1;
	s22 =	sadd.s32 s14, s2;
	s1 =	smul.u32 $0x9000, s1  }
0xc: {  	s5 =	smul.u32 $0x1200, s6;
	s7 =	sshll.u32 s6, $0x9;
	s11 =	sshrl.u32 s9, $0x1  }
0xd: {  	s6 =	sshll.u32 s6, $0xC;
	[dreg:$0x4] =	wrdreg s22;
	s26 =	sadd.s32 s24, s10  }
0xe: {  	s22 =	simm.s32 $0xE600;
	s24 =	simm.s32 $0xE620;
	s7 =	sadd.s32 s7, s0  }
0xf: {  	s9 =	ssub.s32 s9, s11;
	s23 =	sadd.s32 s21, s12;
	s21 =	simm.s32 $0xE640  }
0x10: {  	s11 =	simm.s32 $0x0;
	s5 =	sshrl.u32 s5, $0x3;
	s7 =	sadd.s32 $0x11000, s7  }
0x11: {  	s25 =	smax.u32 s9, $0x1;
	s9 =	simm.s32 $0xE670;
	s8 =	sadd.s32 s5, s0  }
0x12: {  	s5 =	sadd.s32 $0x13D800, s0;
	s0 =	sadd.s32 s0, s13;
	[dreg:$0x6] =	wrdreg s7  }
0x13: {  	[dreg:$0x7] =	wrdreg s25;
	s13 =	sadd.s32 s1, s26;
	s25 =	simm.s32 $0x8200  }
0x14: {  	s26 =	simm.s32 $0x8600;
	s1 =	simm.s32 $0x9A00;
	s7 =	simm.s32 $0xE650  }
0x15: {  	[dreg:$0x3] =	wrdreg s0;
	s8 =	sadd.s32 $0x15000, s8;
	s0 =	sshll.u32 s23, $0x3  }
0x16: {  	s23 =	simm.s32 $0xE610;
	[dreg:$0x5] =	wrdreg s8;
	s0 =	sadd.s32 s0, s10  }
0x17: {  	vm0 =	vmmov $0xffff;
	s8 =	simm.s32 $0xE660;
	s12 =	sadd.s32 $0xC00, s0;
	s0 =	simm.s32 $0x9E00  }
.LBB2_1:
0x18: {  	[dreg:$0x8] =	wrdreg s11  }
0x19: {  	s10 =	rddreg [dreg:$0x3];
	s11 =	simm.s32 $0xEA00  }
0x1a: {  	[tilespmem:s11], [sflag:$0x3] =	stream.linear.gather [hbm4b:s10+s3], $0x8000, $0x38;
	[tilespmem:$0x1EA00] =	vst v63  }
0x1b: {  	_ =	swait.ge [sflag:s15], $0x8000  }
0x1c: {  	[sflag:s15] =	ssyncset.done $0x0  }
0x1d: {  	s14 =	rddreg [dreg:$0x4];
	[sflag:s15] =	ssyncadd.s32 $0xFFFF8000  }
0x1e: {  	[spmem:s14] =	stream.linear.scatter [tilespmem:s11], [sflag:$0x3], $0x8000, $0x38;
	[tilespmem:$0x1EA00] =	vst v63  }
0x1f: {  	_ =	swait.ge [sflag:s15], $0x8000  }
0x20: {  	[sflag:s15] =	ssyncset.done $0x0  }
0x21: {  	s14 =	rddreg [dreg:$0x5];
	[sflag:s15] =	ssyncadd.s32 $0xFFFF8000  }
0x22: {  	[tilespmem:s3], [sflag:$0x3] =	stream.linear.gather [hbm4b:s14+s3], $0x1200, $0x38;
	[tilespmem:$0x1EA00] =	vst v63  }
0x23: {  	_ =	swait.ge [sflag:s15], $0x1200  }
0x24: {  	[sflag:s15] =	ssyncset.done $0x0  }
0x25: {  	s14 =	simm.s32 $0x1200;
	s11 =	rddreg [dreg:$0x6];
	[sflag:s15] =	ssyncadd.s32 $0xFFFFEE00  }
0x26: {  	[tilespmem:s14], [sflag:$0x3] =	stream.linear.gather [hbm4b:s11+s3], $0x1000, $0x38;
	[tilespmem:$0x1EA00] =	vst v63  }
0x27: {  	_ =	swait.ge [sflag:s15], $0x1000  }
0x28: {  	[sflag:s15] =	ssyncset.done $0x0  }
0x29: {  	[sflag:s15] =	ssyncadd.s32 $0xFFFFF000  }
0x2a: {  	[bflag:$0x0] =	sbarrier.arrive $0xFFFF  }
0x2b: {  	v0 =	vld [tilespmem:$0x0];
	_ =	sdelay $0x7  }
0x2c: {  	[tilespmem:s17], [sflag:$0x1] =	stream.indirect_vreg.gather [hbm4b:s4+s3], $0x40, v0, vm0, $0xb8;
	[tilespmem:$0x1EA00] =	vst v63  }
0x2d: {  	v0 =	vld [tilespmem:$0x10];
	_ =	sdelay $0x6  }
0x2e: {  	s14 =	simm.s32 $0x2600  }
0x2f: {  	[tilespmem:s14], [sflag:$0x1] =	stream.indirect_vreg.gather [hbm4b:s4+s3], $0x40, v0, vm0, $0xb8;
	[tilespmem:$0x1EA00] =	vst v63  }
0x30: {  	v0 =	vld [tilespmem:$0x20];
	_ =	sdelay $0x6  }
0x31: {  	s11 =	simm.s32 $0x2A00  }
0x32: {  	[tilespmem:s11], [sflag:$0x1] =	stream.indirect_vreg.gather [hbm4b:s4+s3], $0x40, v0, vm0, $0xb8;
	[tilespmem:$0x1EA00] =	vst v63  }
0x33: {  	v0 =	vld [tilespmem:$0x30];
	_ =	sdelay $0x6  }
0x34: {  	s14 =	simm.s32 $0x2E00  }
0x35: {  	[tilespmem:s14], [sflag:$0x1] =	stream.indirect_vreg.gather [hbm4b:s4+s3], $0x40, v0, vm0, $0xb8;
	[tilespmem:$0x1EA00] =	vst v63  }
0x36: {  	v0 =	vld [tilespmem:$0x40];
	_ =	sdelay $0x6  }
0x37: {  	s11 =	simm.s32 $0x3200  }
0x38: {  	[tilespmem:s11], [sflag:$0x1] =	stream.indirect_vreg.gather [hbm4b:s4+s3], $0x40, v0, vm0, $0xb8;
	[tilespmem:$0x1EA00] =	vst v63  }
0x39: {  	v0 =	vld [tilespmem:$0x50];
	_ =	sdelay $0x6  }
0x3a: {  	s14 =	simm.s32 $0x3600  }
0x3b: {  	[tilespmem:s14], [sflag:$0x1] =	stream.indirect_vreg.gather [hbm4b:s4+s3], $0x40, v0, vm0, $0xb8;
	[tilespmem:$0x1EA00] =	vst v63  }
0x3c: {  	v0 =	vld [tilespmem:$0x60];
	_ =	sdelay $0x6  }
0x3d: {  	s11 =	simm.s32 $0x3A00  }
0x3e: {  	[tilespmem:s11], [sflag:$0x1] =	stream.indirect_vreg.gather [hbm4b:s4+s3], $0x40, v0, vm0, $0xb8;
	[tilespmem:$0x1EA00] =	vst v63  }
0x3f: {  	v0 =	vld [tilespmem:$0x70];
	_ =	sdelay $0x6  }
0x40: {  	s14 =	simm.s32 $0x3E00  }
0x41: {  	[tilespmem:s14], [sflag:$0x1] =	stream.indirect_vreg.gather [hbm4b:s4+s3], $0x40, v0, vm0, $0xb8;
	[tilespmem:$0x1EA00] =	vst v63  }
0x42: {  	s11 =	simm.s32 $0x0;
	s14 =	simm.s32 $0xC0  }
.LBB2_2:
0x43: {  	v0 =	vld [tilespmem:s14+$0xFFFFFFC0];
	_ =	sdelay $0x7  }
0x44: {  	[tilespmem:s25], [sflag:$0x2] =	stream.indirect_vreg.gather [hbm4b:s4+s3], $0x40, v0, vm0, $0xb8;
	[tilespmem:$0x1EA00] =	vst v63  }
0x45: {  	v0 =	vld [tilespmem:s14+$0xFFFFFFD0];
	_ =	sdelay $0x7  }
0x46: {  	[tilespmem:s26], [sflag:$0x2] =	stream.indirect_vreg.gather [hbm4b:s4+s3], $0x40, v0, vm0, $0xb8;
	[tilespmem:$0x1EA00] =	vst v63  }
0x47: {  	v0 =	vld [tilespmem:s14+$0xFFFFFFE0];
	_ =	sdelay $0x7  }
0x48: {  	[tilespmem:s28], [sflag:$0x2] =	stream.indirect_vreg.gather [hbm4b:s4+s3], $0x40, v0, vm0, $0xb8;
	[tilespmem:$0x1EA00] =	vst v63  }
0x49: {  	v0 =	vld [tilespmem:s14+$0xFFFFFFF0];
	_ =	sdelay $0x7  }
0x4a: {  	[tilespmem:s29], [sflag:$0x2] =	stream.indirect_vreg.gather [hbm4b:s4+s3], $0x40, v0, vm0, $0xb8;
	[tilespmem:$0x1EA00] =	vst v63  }
0x4b: {  	v0 =	vld [tilespmem:s14+$0x0];
	_ =	sdelay $0x7  }
0x4c: {  	[tilespmem:s30], [sflag:$0x2] =	stream.indirect_vreg.gather [hbm4b:s4+s3], $0x40, v0, vm0, $0xb8;
	[tilespmem:$0x1EA00] =	vst v63  }
0x4d: {  	v0 =	vld [tilespmem:s14+$0x10];
	_ =	sdelay $0x7  }
0x4e: {  	[tilespmem:s31], [sflag:$0x2] =	stream.indirect_vreg.gather [hbm4b:s4+s3], $0x40, v0, vm0, $0xb8;
	[tilespmem:$0x1EA00] =	vst v63  }
0x4f: {  	v0 =	vld [tilespmem:s14+$0x20];
	_ =	sdelay $0x7  }
0x50: {  	[tilespmem:s1], [sflag:$0x2] =	stream.indirect_vreg.gather [hbm4b:s4+s3], $0x40, v0, vm0, $0xb8;
	[tilespmem:$0x1EA00] =	vst v63  }
0x51: {  	v0 =	vld [tilespmem:s14+$0x30];
	_ =	sdelay $0x7  }
0x52: {  	[tilespmem:s0], [sflag:$0x2] =	stream.indirect_vreg.gather [hbm4b:s4+s3], $0x40, v0, vm0, $0xb8;
	[tilespmem:$0x1EA00] =	vst v63  }
0x53: {  	_ =	swait.ge [sflag:s16], $0x400  }
0x54: {  	[sflag:s16] =	ssyncset.done $0x0  }
0x55: {  	[sflag:s16] =	ssyncadd.s32 $0xFFFFFC00  }
0x56: {  	_ =	swait.ge [sflag:s16], $0x400  }
0x57: {  	[sflag:s16] =	ssyncset.done $0x0  }
0x58: {  	[sflag:s16] =	ssyncadd.s32 $0xFFFFFC00  }
0x59: {  	_ =	swait.ge [sflag:s16], $0x400  }
0x5a: {  	[sflag:s16] =	ssyncset.done $0x0  }
0x5b: {  	[sflag:s16] =	ssyncadd.s32 $0xFFFFFC00  }
0x5c: {  	_ =	swait.ge [sflag:s16], $0x400  }
0x5d: {  	[sflag:s16] =	ssyncset.done $0x0  }
0x5e: {  	[sflag:s16] =	ssyncadd.s32 $0xFFFFFC00  }
0x5f: {  	_ =	swait.ge [sflag:s16], $0x400  }
0x60: {  	[sflag:s16] =	ssyncset.done $0x0  }
0x61: {  	[sflag:s16] =	ssyncadd.s32 $0xFFFFFC00  }
0x62: {  	_ =	swait.ge [sflag:s16], $0x400  }
0x63: {  	[sflag:s16] =	ssyncset.done $0x0  }
0x64: {  	[sflag:s16] =	ssyncadd.s32 $0xFFFFFC00  }
0x65: {  	_ =	swait.ge [sflag:s16], $0x400  }
0x66: {  	[sflag:s16] =	ssyncset.done $0x0  }
0x67: {  	[sflag:s16] =	ssyncadd.s32 $0xFFFFFC00  }
0x68: {  	_ =	swait.ge [sflag:s16], $0x400  }
0x69: {  	[sflag:s16] =	ssyncset.done $0x0  }
0x6a: {  	s10 =	sadd.s32 s11, s13;
	[sflag:s16] =	ssyncadd.s32 $0xFFFFFC00  }
0x6b: {  	[hbm4b:s10+s3] =	stream.linear.scatter [tilespmem:s17], [sflag:$0x3], $0x6000, $0x38;
	[tilespmem:$0x1EA00] =	vst v63  }
0x6c: {  	_ =	swait.ge [sflag:s15], $0x6000  }
0x6d: {  	[sflag:s15] =	ssyncset.done $0x0  }
0x6e: {  	p0 =	seq.s32 s11, $0x7800;
	[sflag:s15] =	ssyncadd.s32 $0xFFFFA000  }
0x6f: {  	v0 =	vld @!p0 [tilespmem:s14+$0x40];
	_ =	sdelay $0x6  }
0x70: {  	vm1 =	vmmov @!p0 $0xffff;
	s26 =	simm.s32 @!p0 $0x2200;
	s10 =	simm.s32 @!p0 $0x0  }
0x71: {  	[tilespmem:s26], [sflag:$0x1] =	stream.indirect_vreg.gather @!p0 [hbm4b:s4+s10], $0x40, v0, vm1, $0xb8;
	[tilespmem:$0x1EA00] =	vst v63  }
0x72: {  	v0 =	vld @!p0 [tilespmem:s14+$0x50];
	_ =	sdelay $0x6  }
0x73: {  	s26 =	simm.s32 @!p0 $0x2600  }
0x74: {  	[tilespmem:s26], [sflag:$0x1] =	stream.indirect_vreg.gather @!p0 [hbm4b:s4+s10], $0x40, v0, vm1, $0xb8;
	[tilespmem:$0x1EA00] =	vst v63  }
0x75: {  	v0 =	vld @!p0 [tilespmem:s14+$0x60];
	_ =	sdelay $0x6  }
0x76: {  	s26 =	simm.s32 @!p0 $0x2A00  }
0x77: {  	[tilespmem:s26], [sflag:$0x1] =	stream.indirect_vreg.gather @!p0 [hbm4b:s4+s10], $0x40, v0, vm1, $0xb8;
	[tilespmem:$0x1EA00] =	vst v63  }
0x78: {  	v0 =	vld @!p0 [tilespmem:s14+$0x70];
	_ =	sdelay $0x6  }
0x79: {  	s26 =	simm.s32 @!p0 $0x2E00  }
0x7a: {  	[tilespmem:s26], [sflag:$0x1] =	stream.indirect_vreg.gather @!p0 [hbm4b:s4+s10], $0x40, v0, vm1, $0xb8;
	[tilespmem:$0x1EA00] =	vst v63  }
0x7b: {  	v0 =	vld @!p0 [tilespmem:s14+$0x80];
	_ =	sdelay $0x6  }
0x7c: {  	s26 =	simm.s32 @!p0 $0x3200  }
0x7d: {  	[tilespmem:s26], [sflag:$0x1] =	stream.indirect_vreg.gather @!p0 [hbm4b:s4+s10], $0x40, v0, vm1, $0xb8;
	[tilespmem:$0x1EA00] =	vst v63  }
0x7e: {  	v0 =	vld @!p0 [tilespmem:s14+$0x90];
	_ =	sdelay $0x6  }
0x7f: {  	s26 =	simm.s32 @!p0 $0x3600  }
0x80: {  	[tilespmem:s26], [sflag:$0x1] =	stream.indirect_vreg.gather @!p0 [hbm4b:s4+s10], $0x40, v0, vm1, $0xb8;
	[tilespmem:$0x1EA00] =	vst v63  }
0x81: {  	v0 =	vld @!p0 [tilespmem:s14+$0xA0];
	_ =	sdelay $0x6  }
0x82: {  	s26 =	simm.s32 @!p0 $0x3A00  }
0x83: {  	[tilespmem:s26], [sflag:$0x1] =	stream.indirect_vreg.gather @!p0 [hbm4b:s4+s10], $0x40, v0, vm1, $0xb8;
	[tilespmem:$0x1EA00] =	vst v63  }
0x84: {  	v0 =	vld @!p0 [tilespmem:s14+$0xB0];
	_ =	sdelay $0x6  }
0x85: {  	s26 =	simm.s32 @!p0 $0x3E00  }
0x86: {  	[tilespmem:s26], [sflag:$0x1] =	stream.indirect_vreg.gather @!p0 [hbm4b:s4+s10], $0x40, v0, vm1, $0xb8;
	[tilespmem:$0x1EA00] =	vst v63  }
0x87: {  	_ =	swait.ge [sflag:s18], $0x400  }
0x88: {  	[sflag:s18] =	ssyncset.done $0x0  }
0x89: {  	[sflag:s18] =	ssyncadd.s32 $0xFFFFFC00  }
0x8a: {  	_ =	swait.ge [sflag:s18], $0x400  }
0x8b: {  	[sflag:s18] =	ssyncset.done $0x0  }
0x8c: {  	[sflag:s18] =	ssyncadd.s32 $0xFFFFFC00  }
0x8d: {  	_ =	swait.ge [sflag:s18], $0x400  }
0x8e: {  	[sflag:s18] =	ssyncset.done $0x0  }
0x8f: {  	[sflag:s18] =	ssyncadd.s32 $0xFFFFFC00  }
0x90: {  	_ =	swait.ge [sflag:s18], $0x400  }
0x91: {  	[sflag:s18] =	ssyncset.done $0x0  }
0x92: {  	[sflag:s18] =	ssyncadd.s32 $0xFFFFFC00  }
0x93: {  	_ =	swait.ge [sflag:s18], $0x400  }
0x94: {  	[sflag:s18] =	ssyncset.done $0x0  }
0x95: {  	[sflag:s18] =	ssyncadd.s32 $0xFFFFFC00  }
0x96: {  	_ =	swait.ge [sflag:s18], $0x400  }
0x97: {  	[sflag:s18] =	ssyncset.done $0x0  }
0x98: {  	[sflag:s18] =	ssyncadd.s32 $0xFFFFFC00  }
0x99: {  	_ =	swait.ge [sflag:s18], $0x400  }
0x9a: {  	[sflag:s18] =	ssyncset.done $0x0  }
0x9b: {  	[sflag:s18] =	ssyncadd.s32 $0xFFFFFC00  }
0x9c: {  	s10 =	sadd.s32 s11, s12;
	s11 =	sadd.s32 $0x1800, s11;
	_ =	swait.ge [sflag:s18], $0x400  }
0x9d: {  	p0 =	sne.s32 s11, $0x9000;
	[sflag:s18] =	ssyncset.done $0x0  }
.Ltmp0:
0x9e: {  	[sflag:s18] =	ssyncadd.s32 $0xFFFFFC00;
	(pc) =	sbr.rel @p0 .LBB2_2-.Ltmp0, $4  }
0x9f: {  	[hbm4b:s10+s3] =	stream.linear.scatter [tilespmem:s25], [sflag:$0x3], $0x6000, $0x38;
	[tilespmem:$0x1EA00] =	vst v63  }
0xa0: {  	_ =	swait.ge [sflag:s15], $0x6000  }
0xa1: {  	[sflag:s15] =	ssyncset.done $0x0  }
0xa2: {  	s14 =	sadd.s32 $0x100, s14;
	s26 =	simm.s32 $0x8600;
	[sflag:s15] =	ssyncadd.s32 $0xFFFFA000  }
0xa3: {  	v0 =	vld [tilespmem:$0x1200];
	_ =	sdelay $0x7  }
0xa4: {  	[tilespmem:s19], [sflag:$0x1] =	stream.indirect_vreg.gather [spmem:s2], $0x1, v0, vm0, $0xb8;
	[tilespmem:$0x1EA00] =	vst v63  }
0xa5: {  	v0 =	vld [tilespmem:$0x1210];
	_ =	sdelay $0x6  }
0xa6: {  	s10 =	simm.s32 $0xE210  }
0xa7: {  	[tilespmem:s10], [sflag:$0x1] =	stream.indirect_vreg.gather [spmem:s2], $0x1, v0, vm0, $0xb8;
	[tilespmem:$0x1EA00] =	vst v63  }
0xa8: {  	v0 =	vld [tilespmem:$0x1220];
	_ =	sdelay $0x6  }
0xa9: {  	s11 =	simm.s32 $0xE220  }
0xaa: {  	[tilespmem:s11], [sflag:$0x1] =	stream.indirect_vreg.gather [spmem:s2], $0x1, v0, vm0, $0xb8;
	[tilespmem:$0x1EA00] =	vst v63  }
0xab: {  	v0 =	vld [tilespmem:$0x1230];
	_ =	sdelay $0x6  }
0xac: {  	s14 =	simm.s32 $0xE230  }
0xad: {  	[tilespmem:s14], [sflag:$0x1] =	stream.indirect_vreg.gather [spmem:s2], $0x1, v0, vm0, $0xb8;
	[tilespmem:$0x1EA00] =	vst v63  }
0xae: {  	v0 =	vld [tilespmem:$0x1240];
	_ =	sdelay $0x6  }
0xaf: {  	s11 =	simm.s32 $0xE240  }
0xb0: {  	[tilespmem:s11], [sflag:$0x1] =	stream.indirect_vreg.gather [spmem:s2], $0x1, v0, vm0, $0xb8;
	[tilespmem:$0x1EA00] =	vst v63  }
0xb1: {  	v0 =	vld [tilespmem:$0x1250];
	_ =	sdelay $0x6  }
0xb2: {  	s14 =	simm.s32 $0xE250  }
0xb3: {  	[tilespmem:s14], [sflag:$0x1] =	stream.indirect_vreg.gather [spmem:s2], $0x1, v0, vm0, $0xb8;
	[tilespmem:$0x1EA00] =	vst v63  }
0xb4: {  	v0 =	vld [tilespmem:$0x1260];
	_ =	sdelay $0x6  }
0xb5: {  	s11 =	simm.s32 $0xE260  }
0xb6: {  	[tilespmem:s11], [sflag:$0x1] =	stream.indirect_vreg.gather [spmem:s2], $0x1, v0, vm0, $0xb8;
	[tilespmem:$0x1EA00] =	vst v63  }
0xb7: {  	v0 =	vld [tilespmem:$0x1270];
	_ =	sdelay $0x6  }
0xb8: {  	s14 =	simm.s32 $0xE270  }
0xb9: {  	[tilespmem:s14], [sflag:$0x1] =	stream.indirect_vreg.gather [spmem:s2], $0x1, v0, vm0, $0xb8;
	[tilespmem:$0x1EA00] =	vst v63  }
0xba: {  	p1 =	por $0x1, $0x1;
	s14 =	simm.s32 $0x0  }
.LBB2_4:
0xbb: {  	s11 =	sshllo.u32 s14, $0x1  }
0xbc: {  	s10 =	sshll.u32 s11, $0x7  }
0xbd: {  	s10 =	sand.u32 $0x3FFFFF80, s10  }
0xbe: {  	v0 =	vld [tilespmem:s10+$0x1200];
	_ =	sdelay $0x7  }
0xbf: {  	[tilespmem:s22], [sflag:$0x2] =	stream.indirect_vreg.gather [spmem:s2], $0x1, v0, vm0, $0xb8;
	[tilespmem:$0x1EA00] =	vst v63  }
0xc0: {  	v0 =	vld [tilespmem:s10+$0x1210];
	_ =	sdelay $0x7  }
0xc1: {  	[tilespmem:s23], [sflag:$0x2] =	stream.indirect_vreg.gather [spmem:s2], $0x1, v0, vm0, $0xb8;
	[tilespmem:$0x1EA00] =	vst v63  }
0xc2: {  	v0 =	vld [tilespmem:s10+$0x1220];
	_ =	sdelay $0x7  }
0xc3: {  	[tilespmem:s24], [sflag:$0x2] =	stream.indirect_vreg.gather [spmem:s2], $0x1, v0, vm0, $0xb8;
	[tilespmem:$0x1EA00] =	vst v63  }
0xc4: {  	v0 =	vld [tilespmem:s10+$0x1230];
	_ =	sdelay $0x7  }
0xc5: {  	[tilespmem:s20], [sflag:$0x2] =	stream.indirect_vreg.gather [spmem:s2], $0x1, v0, vm0, $0xb8;
	[tilespmem:$0x1EA00] =	vst v63  }
0xc6: {  	v0 =	vld [tilespmem:s10+$0x1240];
	_ =	sdelay $0x7  }
0xc7: {  	[tilespmem:s21], [sflag:$0x2] =	stream.indirect_vreg.gather [spmem:s2], $0x1, v0, vm0, $0xb8;
	[tilespmem:$0x1EA00] =	vst v63  }
0xc8: {  	v0 =	vld [tilespmem:s10+$0x1250];
	_ =	sdelay $0x7  }
0xc9: {  	[tilespmem:s7], [sflag:$0x2] =	stream.indirect_vreg.gather [spmem:s2], $0x1, v0, vm0, $0xb8;
	[tilespmem:$0x1EA00] =	vst v63  }
0xca: {  	v0 =	vld [tilespmem:s10+$0x1260];
	_ =	sdelay $0x7  }
0xcb: {  	[tilespmem:s8], [sflag:$0x2] =	stream.indirect_vreg.gather [spmem:s2], $0x1, v0, vm0, $0xb8;
	[tilespmem:$0x1EA00] =	vst v63  }
0xcc: {  	v0 =	vld [tilespmem:s10+$0x1270];
	_ =	sdelay $0x7  }
0xcd: {  	[tilespmem:s9], [sflag:$0x2] =	stream.indirect_vreg.gather [spmem:s2], $0x1, v0, vm0, $0xb8;
	[tilespmem:$0x1EA00] =	vst v63  }
0xce: {  	_ =	swait.ge [sflag:s16], $0x10  }
0xcf: {  	[sflag:s16] =	ssyncset.done $0x0  }
0xd0: {  	[sflag:s16] =	ssyncadd.s32 $0xFFFFFFF0  }
0xd1: {  	_ =	swait.ge [sflag:s16], $0x10  }
0xd2: {  	[sflag:s16] =	ssyncset.done $0x0  }
0xd3: {  	[sflag:s16] =	ssyncadd.s32 $0xFFFFFFF0  }
0xd4: {  	_ =	swait.ge [sflag:s16], $0x10  }
0xd5: {  	[sflag:s16] =	ssyncset.done $0x0  }
0xd6: {  	[sflag:s16] =	ssyncadd.s32 $0xFFFFFFF0  }
0xd7: {  	_ =	swait.ge [sflag:s16], $0x10  }
0xd8: {  	[sflag:s16] =	ssyncset.done $0x0  }
0xd9: {  	[sflag:s16] =	ssyncadd.s32 $0xFFFFFFF0  }
0xda: {  	_ =	swait.ge [sflag:s16], $0x10  }
0xdb: {  	[sflag:s16] =	ssyncset.done $0x0  }
0xdc: {  	[sflag:s16] =	ssyncadd.s32 $0xFFFFFFF0  }
0xdd: {  	_ =	swait.ge [sflag:s16], $0x10  }
0xde: {  	[sflag:s16] =	ssyncset.done $0x0  }
0xdf: {  	[sflag:s16] =	ssyncadd.s32 $0xFFFFFFF0  }
0xe0: {  	_ =	swait.ge [sflag:s16], $0x10  }
0xe1: {  	[sflag:s16] =	ssyncset.done $0x0  }
0xe2: {  	s14 =	sshll.u32 s14, $0xB;
	[sflag:s16] =	ssyncadd.s32 $0xFFFFFFF0  }
0xe3: {  	s10 =	sor.u32 s6, s14;
	_ =	swait.ge [sflag:s16], $0x10  }
0xe4: {  	s10 =	sshrl.u32 s10, $0x3;
	[sflag:s16] =	ssyncset.done $0x0  }
0xe5: {  	s10 =	sadd.s32 s5, s10;
	[sflag:s16] =	ssyncadd.s32 $0xFFFFFFF0  }
0xe6: {  	[hbm4b:s10+s3] =	stream.linear.scatter [tilespmem:s19], [sflag:$0x3], $0x400, $0x38;
	[tilespmem:$0x1EA00] =	vst v63  }
0xe7: {  	_ =	swait.ge [sflag:s15], $0x400  }
0xe8: {  	[sflag:s15] =	ssyncset.done $0x0  }
0xe9: {  	[sflag:s15] =	ssyncadd.s32 $0xFFFFFC00  }
0xea: {  	v0 =	vld @p1 [tilespmem:$0x1300];
	_ =	sdelay $0x6  }
0xeb: {  	vm1 =	vmmov @p1 $0xffff;
	s10 =	simm.s32 @p1 $0xE200  }
0xec: {  	[tilespmem:s10], [sflag:$0x1] =	stream.indirect_vreg.gather @p1 [spmem:s2], $0x1, v0, vm1, $0xb8;
	[tilespmem:$0x1EA00] =	vst v63  }
0xed: {  	v0 =	vld @p1 [tilespmem:$0x1310];
	_ =	sdelay $0x6  }
0xee: {  	s10 =	simm.s32 @p1 $0xE210  }
0xef: {  	[tilespmem:s10], [sflag:$0x1] =	stream.indirect_vreg.gather @p1 [spmem:s2], $0x1, v0, vm1, $0xb8;
	[tilespmem:$0x1EA00] =	vst v63  }
0xf0: {  	v0 =	vld @p1 [tilespmem:$0x1320];
	_ =	sdelay $0x6  }
0xf1: {  	s10 =	simm.s32 @p1 $0xE220  }
0xf2: {  	[tilespmem:s10], [sflag:$0x1] =	stream.indirect_vreg.gather @p1 [spmem:s2], $0x1, v0, vm1, $0xb8;
	[tilespmem:$0x1EA00] =	vst v63  }
0xf3: {  	v0 =	vld @p1 [tilespmem:$0x1330];
	_ =	sdelay $0x6  }
0xf4: {  	s10 =	simm.s32 @p1 $0xE230  }
0xf5: {  	[tilespmem:s10], [sflag:$0x1] =	stream.indirect_vreg.gather @p1 [spmem:s2], $0x1, v0, vm1, $0xb8;
	[tilespmem:$0x1EA00] =	vst v63  }
0xf6: {  	v0 =	vld @p1 [tilespmem:$0x1340];
	_ =	sdelay $0x6  }
0xf7: {  	s10 =	simm.s32 @p1 $0xE240  }
0xf8: {  	[tilespmem:s10], [sflag:$0x1] =	stream.indirect_vreg.gather @p1 [spmem:s2], $0x1, v0, vm1, $0xb8;
	[tilespmem:$0x1EA00] =	vst v63  }
0xf9: {  	v0 =	vld @p1 [tilespmem:$0x1350];
	_ =	sdelay $0x6  }
0xfa: {  	s10 =	simm.s32 @p1 $0xE250  }
0xfb: {  	[tilespmem:s10], [sflag:$0x1] =	stream.indirect_vreg.gather @p1 [spmem:s2], $0x1, v0, vm1, $0xb8;
	[tilespmem:$0x1EA00] =	vst v63  }
0xfc: {  	v0 =	vld @p1 [tilespmem:$0x1360];
	_ =	sdelay $0x6  }
0xfd: {  	s10 =	simm.s32 @p1 $0xE260  }
0xfe: {  	[tilespmem:s10], [sflag:$0x1] =	stream.indirect_vreg.gather @p1 [spmem:s2], $0x1, v0, vm1, $0xb8;
	[tilespmem:$0x1EA00] =	vst v63  }
0xff: {  	v0 =	vld @p1 [tilespmem:$0x1370];
	_ =	sdelay $0x6  }
0x100: {  	s10 =	simm.s32 @p1 $0xE270  }
0x101: {  	[tilespmem:s10], [sflag:$0x1] =	stream.indirect_vreg.gather @p1 [spmem:s2], $0x1, v0, vm1, $0xb8;
	[tilespmem:$0x1EA00] =	vst v63  }
0x102: {  	_ =	swait.ge [sflag:s18], $0x10  }
0x103: {  	[sflag:s18] =	ssyncset.done $0x0  }
0x104: {  	[sflag:s18] =	ssyncadd.s32 $0xFFFFFFF0  }
0x105: {  	_ =	swait.ge [sflag:s18], $0x10  }
0x106: {  	[sflag:s18] =	ssyncset.done $0x0  }
0x107: {  	[sflag:s18] =	ssyncadd.s32 $0xFFFFFFF0  }
0x108: {  	_ =	swait.ge [sflag:s18], $0x10  }
0x109: {  	[sflag:s18] =	ssyncset.done $0x0  }
0x10a: {  	[sflag:s18] =	ssyncadd.s32 $0xFFFFFFF0  }
0x10b: {  	_ =	swait.ge [sflag:s18], $0x10  }
0x10c: {  	[sflag:s18] =	ssyncset.done $0x0  }
0x10d: {  	[sflag:s18] =	ssyncadd.s32 $0xFFFFFFF0  }
0x10e: {  	_ =	swait.ge [sflag:s18], $0x10  }
0x10f: {  	[sflag:s18] =	ssyncset.done $0x0  }
0x110: {  	[sflag:s18] =	ssyncadd.s32 $0xFFFFFFF0  }
0x111: {  	_ =	swait.ge [sflag:s18], $0x10  }
0x112: {  	[sflag:s18] =	ssyncset.done $0x0  }
0x113: {  	[sflag:s18] =	ssyncadd.s32 $0xFFFFFFF0  }
0x114: {  	_ =	swait.ge [sflag:s18], $0x10  }
0x115: {  	[sflag:s18] =	ssyncset.done $0x0  }
0x116: {  	s14 =	sshll.u32 s11, $0xA;
	[sflag:s18] =	ssyncadd.s32 $0xFFFFFFF0  }
0x117: {  	s10 =	sor.u32 s6, s14;
	_ =	swait.ge [sflag:s18], $0x10  }
0x118: {  	p0 =	por p1, p1;
	s10 =	sshrl.u32 s10, $0x3;
	[sflag:s18] =	ssyncset.done $0x0  }
.Ltmp1:
0x119: {  	s10 =	sadd.s32 s5, s10;
	[sflag:s18] =	ssyncadd.s32 $0xFFFFFFF0;
	(pc) =	sbr.rel @p0 .LBB2_4-.Ltmp1, $4  }
0x11a: {  	[hbm4b:s10+s3] =	stream.linear.scatter [tilespmem:s22], [sflag:$0x3], $0x400, $0x38;
	[tilespmem:$0x1EA00] =	vst v63  }
0x11b: {  	_ =	swait.ge [sflag:s15], $0x400  }
0x11c: {  	[sflag:s15] =	ssyncset.done $0x0  }
0x11d: {  	s14 =	simm.s32 $0x1;
	p1 =	por $0x0, $0x0;
	[sflag:s15] =	ssyncadd.s32 $0xFFFFFC00  }
0x11e: {  	s11 =	rddreg [dreg:$0x8]  }
0x11f: {  	s10 =	rddreg [dreg:$0x7];
	s11 =	sadd.s32 $0x1, s11  }
0x120: {  	p0 =	sne.s32 s11, s10  }
.Ltmp2:
0x121: {  	_ = 	snop;
	(pc) =	sbr.rel @p0 .LBB2_1-.Ltmp2, $1  }
0x122: {  	_ =	sdelay $0x3  }
0x123: {  	_ =	sfence.sel $0x180000  }
0x124: {  	[bflag:$0x0] =	sbarrier.arrive $0xFFFF  }
0x125: {  	_ =	strace $0x90000047  }
0x126: {  	s0 =	stileid.u32;
	[bflag:$0x2] =	sbarrier.arrive $0xFFFF  }
0x127: {  	p0 =	sne.s32 s0, $0x0;
	s0 =	rddreg [dreg:$0x2]  }
0x128: {  	s0 =	sadd.s32 @!p0 $0x100000, s0  }
0x129: {  	[sflag:s0] =	ssyncadd.tile.s32 @!p0 $0x1;
	_ =	shalt  }
.Lfunc_end2:
_tile_overlayer_lowered:
.L_overlay_start_2:
0x12a: {  	(tag) =	ssettag $0x2  }
0x12b: {  	s0 =	rddreg [dreg:$0x0];
	s2 =	stileid.u32  }
0x12c: {  	s1 =	rddreg [dreg:$0x1];
	p0 =	sne.s32 s2, $0x0  }
0x12d: {  	s3 =	rddreg [dreg:$0x2];
	[bflag:$0x3] =	sbarrier.arrive $0xFFFF;
	s2 =	simm.s32 @!p0 $0x1C03  }
0x12e: {  	[timem:s3], [sflag:s2] =	dma.local @!p0 [hbm:s0], s1  }
0x12f: {  	s0 =	simm.s32 @!p0 $0x3  }
0x130: {  	_ =	swait.ge @!p0 [sflag:s0], s1  }
0x131: {  	s1 =	ssub.s32 @!p0 $0x0, s1;
	[sflag:s0] =	ssyncset.done @!p0 $0x0  }
0x132: {  	[sflag:s0] =	ssyncadd.s32 @!p0 s1  }
0x133: {  	[bflag:$0x3] =	sbarrier.arrive $0xFFFF  }
0x134: {  	_ =	shalt  }

</sc_bundles>
